<compile_context>
chip_gen: v7x
topology: tpu7x:2x2x1
jax: 0.10.2.dev20260603
libtpu: 0.0.44.dev20260713+nightly
codegen_flags: <defaults>
</compile_context>

<pallas_src>
import functools

import jax
import jax.numpy as jnp
from jax import lax
from jax.experimental import pallas as pl
from jax.experimental.pallas import tpu as pltpu
from jax.experimental.pallas import tpu_sc as plsc

_N = 10000
_E = 320000
_D = 128

_NC = 2
_NS = 16
_CH = 128
_CHUNKS_PER_TILE = 80
_T = _CH * _CHUNKS_PER_TILE
_E_PAD = _NC * _NS * _T
_N_PAD = 10112
_RPT = _N_PAD // _NS
_B = 8


def _sc_segment_partials(x, src2d, dst2d, zeros):
  mesh = plsc.VectorSubcoreMesh(
      core_axis_name="c", subcore_axis_name="s",
      num_cores=_NC, num_subcores=_NS)

  @functools.partial(
      pl.kernel,
      out_type=jax.ShapeDtypeStruct((_NC, _N_PAD, _D), jnp.float32),
      mesh=mesh,
      scratch_types=[
          pltpu.VMEM((2, _B, _CH), jnp.int32),
          pltpu.VMEM((2, _B, _CH), jnp.int32),
          pltpu.VMEM((2, _CH, _D), jnp.float32),
          pltpu.VMEM_SHARED((_N_PAD, _D), jnp.float32),
          pltpu.SemaphoreType.DMA,
          pltpu.SemaphoreType.DMA,
          pltpu.SemaphoreType.DMA,
      ],
  )
  def sc_kernel(x_hbm, src_hbm, dst_hbm, z_hbm, out_hbm,
                sidx, didx, rows, agg, sem0, sem1, semi):
    c = lax.axis_index("c")
    s = lax.axis_index("s")
    zcp = pltpu.async_copy(z_hbm.at[pl.ds(s * _RPT, _RPT)],
                           agg.at[pl.ds(s * _RPT, _RPT)], sem0)
    crow = (c * _NS + s) * _CHUNKS_PER_TILE
    pltpu.sync_copy(src_hbm.at[pl.ds(crow, _B)], sidx.at[0])
    pltpu.sync_copy(dst_hbm.at[pl.ds(crow, _B)], didx.at[0])
    zcp.wait()
    plsc.subcore_barrier()

    nbat = _CHUNKS_PER_TILE // _B
    pltpu.async_copy(x_hbm.at[sidx.at[0, 0]], rows.at[0], sem0)

    def pair_body(j, carry):
      i0 = 2 * j
      bat = i0 // _B
      islot = bat % 2
      r0 = i0 % _B
      jr = j % (_B // 2)

      @pl.when(jnp.logical_and(jr == 0, bat + 1 < nbat))
      def _():
        nrow = crow + (bat + 1) * _B
        pltpu.async_copy(src_hbm.at[pl.ds(nrow, _B)],
                         sidx.at[1 - islot], semi)
        pltpu.async_copy(dst_hbm.at[pl.ds(nrow, _B)],
                         didx.at[1 - islot], semi)

      pltpu.async_copy(x_hbm.at[sidx.at[islot, r0 + 1]], rows.at[1], sem1)
      pltpu.make_async_copy(x_hbm.at[sidx.at[islot, r0]], rows.at[0],
                            sem0).wait()
      pltpu.sync_copy(rows.at[0], agg.at[didx.at[islot, r0]], add=True)

      @pl.when(jnp.logical_and(jr == _B // 2 - 1, bat + 1 < nbat))
      def _():
        pltpu.make_async_copy(src_hbm.at[pl.ds(crow, _B)],
                              sidx.at[1 - islot], semi).wait()
        pltpu.make_async_copy(dst_hbm.at[pl.ds(crow, _B)],
                              didx.at[1 - islot], semi).wait()

      @pl.when(j + 1 < _CHUNKS_PER_TILE // 2)
      def _():
        i2 = i0 + 2
        pltpu.async_copy(
            x_hbm.at[sidx.at[(i2 // _B) % 2, i2 % _B]], rows.at[0], sem0)

      pltpu.make_async_copy(x_hbm.at[sidx.at[islot, r0 + 1]], rows.at[1],
                            sem1).wait()
      pltpu.sync_copy(rows.at[1], agg.at[didx.at[islot, r0 + 1]], add=True)
      return carry

    lax.fori_loop(0, _CHUNKS_PER_TILE // 2, pair_body, 0)
    plsc.subcore_barrier()
    pltpu.sync_copy(agg.at[pl.ds(s * _RPT, _RPT)],
                    out_hbm.at[c, pl.ds(s * _RPT, _RPT)])

  return sc_kernel(x, src2d, dst2d, zeros)


_BLK = 2000


def _tc_epilogue(x, partial, boundary, rw, W, b2, g2, be2):
  def body(x_ref, p_ref, bnd_ref, rw_ref, w_ref, b_ref, g_ref, be_ref, o_ref):
    agg = (p_ref[0] + p_ref[1]) * rw_ref[...] + bnd_ref[...]
    hcat = jnp.concatenate([x_ref[...], agg], axis=-1)
    h = lax.dot_general(
        hcat, w_ref[...], (((1,), (1,)), ((), ())),
        preferred_element_type=jnp.float32,
        precision=lax.Precision.DEFAULT) + b_ref[...]
    mean = jnp.mean(h, axis=-1, keepdims=True)
    hc = h - mean
    var = jnp.mean(hc * hc, axis=-1, keepdims=True)
    h = hc * lax.rsqrt(var + 1e-5) * g_ref[...] + be_ref[...]
    o_ref[...] = jnp.maximum(h, 0.0)

  grid = (_N // _BLK,)
  return pl.pallas_call(
      body,
      grid=grid,
      in_specs=[
          pl.BlockSpec((_BLK, _D), lambda i: (i, 0)),
          pl.BlockSpec((_NC, _BLK, _D), lambda i: (0, i, 0)),
          pl.BlockSpec((_BLK, _D), lambda i: (i, 0)),
          pl.BlockSpec((1, _D), lambda i: (0, 0)),
          pl.BlockSpec((_D, 2 * _D), lambda i: (0, 0)),
          pl.BlockSpec((1, _D), lambda i: (0, 0)),
          pl.BlockSpec((1, _D), lambda i: (0, 0)),
          pl.BlockSpec((1, _D), lambda i: (0, 0)),
      ],
      out_specs=pl.BlockSpec((_BLK, _D), lambda i: (i, 0)),
      out_shape=jax.ShapeDtypeStruct((_N, _D), jnp.float32),
  )(x, partial, boundary, rw, W, b2, g2, be2)


def kernel(x, boundary, edge_index, relation_weight, W, b, gamma, beta):
  nt = _NC * _NS
  ppt = _T - _E // nt
  pad_src = ((jnp.arange(ppt, dtype=jnp.int32) * 41 + 7) % _N)
  pad_dst = _N + (jnp.arange(ppt, dtype=jnp.int32) % (_N_PAD - _N))
  src_p = jnp.concatenate(
      [edge_index[0].reshape(nt, -1),
       jnp.broadcast_to(pad_src, (nt, ppt))], axis=1).reshape(-1, _CH)
  dst_p = jnp.concatenate(
      [edge_index[1].reshape(nt, -1),
       jnp.broadcast_to(pad_dst, (nt, ppt))], axis=1).reshape(-1, _CH)
  zeros = jnp.zeros((_N_PAD, _D), jnp.float32)

  partial = _sc_segment_partials(x, src_p, dst_p, zeros)

  return _tc_epilogue(
      x, partial, boundary,
      relation_weight.reshape(1, _D), W,
      b.reshape(1, _D), gamma.reshape(1, _D), beta.reshape(1, _D))

# --- scband reference (transcript-rebuilt; emitter-appended) ---
"""Pipeline reference for scband-nbfmodule-6081673691197 (READ-ONLY COPY).

The authoritative reference and input builder live on the scoring server;
editing this copy changes nothing except your own understanding.
"""

import jax, jax.numpy as jnp
import numpy as np

N = 10000
E = 320000
D_IN = 128
D_OUT = 128


def setup_inputs(seed: int = 0) -> dict:
    key = jax.random.key(seed)
    ks = jax.random.split(key, 8)
    x = jax.random.normal(ks[0], (N, D_IN), dtype=jnp.float32)
    boundary = jax.random.normal(ks[1], (N, D_IN), dtype=jnp.float32)
    edge_index = jax.random.randint(ks[2], (2, E), 0, N, dtype=jnp.int32)
    # learned params
    relation_weight = jax.random.normal(ks[3], (1, D_IN), dtype=jnp.float32)  # Embedding(1, in_channels)
    W = jax.random.normal(ks[4], (D_OUT, 2 * D_IN), dtype=jnp.float32) * (1.0 / np.sqrt(2 * D_IN))
    b = jnp.zeros((D_OUT,), dtype=jnp.float32)
    gamma = jnp.ones((D_OUT,), dtype=jnp.float32)
    beta = jnp.zeros((D_OUT,), dtype=jnp.float32)
    return {"x": x, "boundary": boundary, "edge_index": edge_index,
            "relation_weight": relation_weight, "W": W, "b": b,
            "gamma": gamma, "beta": beta}


def reference(x, boundary, edge_index, relation_weight, W, b, gamma, beta):
    # NBFConv (aggr='add', flow=source_to_target): x_j gathered at src, summed at dst
    src = edge_index[0]
    dst = edge_index[1]
    x0 = x
    x_j = jnp.take(x, src, axis=0)                      # gather [E, D]
    msg = relation_weight * x_j                          # [1,D] * [E,D]
    agg = jax.ops.segment_sum(msg, dst, num_segments=N)  # scatter-add [N, D]
    h = agg + boundary
    h = jnp.concatenate([x0, h], axis=-1)                # [N, 2D]
    h = h @ W.T + b                                      # Linear
    # LayerNorm over last dim
    mean = jnp.mean(h, axis=-1, keepdims=True)
    var = jnp.var(h, axis=-1, keepdims=True)
    h = (h - mean) / jnp.sqrt(var + 1e-5) * gamma + beta
    # ReLU
    return jax.nn.relu(h)

if __name__ == "__main__":
    import jax
    _d = setup_inputs()
    print(jax.jit(kernel)(*tuple(_d.values())))

</pallas_src>

<mosaic_0001>
#map = affine_map<(d0, d1) -> (0, 0)>
#map1 = affine_map<(d0, d1) -> (0, 0, 0)>
module attributes {stable_mosaic.version = 14 : i64} {
  func.func @sc_kernel(%arg0: i32, %arg1: i32, %arg2: memref<10000x128xf32, #tpu.memory_space<hbm>>, %arg3: memref<2560x128xi32, #tpu.memory_space<hbm>>, %arg4: memref<2560x128xi32, #tpu.memory_space<hbm>>, %arg5: memref<10112x128xf32, #tpu.memory_space<hbm>>, %arg6: memref<2x10112x128xf32, #tpu.memory_space<hbm>>, %arg7: memref<2x8x128xi32, #tpu.memory_space<vmem>>, %arg8: memref<2x8x128xi32, #tpu.memory_space<vmem>>, %arg9: memref<2x128x128xf32, #tpu.memory_space<vmem>>, %arg10: memref<10112x128xf32, #tpu.memory_space<vmem_shared>>, %arg11: memref<!tpu.dma_semaphore, #tpu.memory_space<semaphore_mem>>, %arg12: memref<!tpu.dma_semaphore, #tpu.memory_space<semaphore_mem>>, %arg13: memref<!tpu.dma_semaphore, #tpu.memory_space<semaphore_mem>>) attributes {dimension_semantics = [#tpu.dimension_semantics<core_parallel>, #tpu.dimension_semantics<subcore_parallel>], iteration_bounds = array<i64: 2, 16>, scalar_prefetch = 0 : i64, scratch_operands = 7 : i64, tpu.core_type = #tpu.core_type<sc_vector_subcore>, window_params = [{transform_indices = #map}, {transform_indices = #map}, {transform_indices = #map}, {transform_indices = #map}, {transform_indices = #map1}]} {
    %mul3A = arith.constant 632 : i32
    %mul3A_0 = arith.muli %arg1, %mul3A : i32
    %mul3A_1 = arith.constant 632 : i32
    %mul3A_2 = arith.muli %arg1, %mul3A_1 : i32
    %dma_start3A = arith.constant 0 : i32
    %dma_start3A_3 = tpu.memref_slice %arg10[%mul3A_2, %dma_start3A] : memref<10112x128xf32, #tpu.memory_space<vmem_shared>> -> memref<632x128xf32, #tpu.memory_space<vmem_shared>>
    %dma_start3A_4 = arith.constant 0 : i32
    %dma_start3A_5 = tpu.memref_slice %arg5[%mul3A_0, %dma_start3A_4] : memref<10112x128xf32, #tpu.memory_space<hbm>> -> memref<632x128xf32, #tpu.memory_space<hbm>>
    tpu.enqueue_dma source(%dma_start3A_5 : memref<632x128xf32, #tpu.memory_space<hbm>>) target(%dma_start3A_3 : memref<632x128xf32, #tpu.memory_space<vmem_shared>>) target_semaphore(%arg11 : memref<!tpu.dma_semaphore, #tpu.memory_space<semaphore_mem>>)
    %mul3A_6 = arith.constant 16 : i32
    %mul3A_7 = arith.muli %arg0, %mul3A_6 : i32
    %add3A = arith.addi %mul3A_7, %arg1 : i32
    %mul3A_8 = arith.constant 80 : i32
    %mul3A_9 = arith.muli %add3A, %mul3A_8 : i32
    %run_scoped3A = arith.constant 0 : i32
    "tpu.region"() ({
      %run_scoped3A_37 = tpu.sem_alloc : memref<!tpu.dma_semaphore, #tpu.memory_space<semaphore_mem>>
      %dma_start3A_38 = arith.constant 0 : i32
      %dma_start3A_39 = arith.constant 0 : i32
      %dma_start3A_40 = tpu.memref_slice %arg7[%run_scoped3A, %dma_start3A_38, %dma_start3A_39] : memref<2x8x128xi32, #tpu.memory_space<vmem>> -> memref<1x8x128xi32, #tpu.memory_space<vmem>>
      %dma_start3A_41 = tpu.memref_squeeze %dma_start3A_40 : memref<1x8x128xi32, #tpu.memory_space<vmem>> -> memref<8x128xi32, #tpu.memory_space<vmem>>
      %dma_start3A_42 = arith.constant 0 : i32
      %dma_start3A_43 = tpu.memref_slice %arg3[%mul3A_9, %dma_start3A_42] : memref<2560x128xi32, #tpu.memory_space<hbm>> -> memref<8x128xi32, #tpu.memory_space<hbm>>
      %dma_start3A_44 = arith.constant 0 : i32
      %dma_start3A_45 = arith.constant 0 : i32
      %dma_start3A_46 = tpu.memref_slice %arg7[%run_scoped3A, %dma_start3A_44, %dma_start3A_45] : memref<2x8x128xi32, #tpu.memory_space<vmem>> -> memref<1x8x128xi32, #tpu.memory_space<vmem>>
      %dma_start3A_47 = tpu.memref_squeeze %dma_start3A_46 : memref<1x8x128xi32, #tpu.memory_space<vmem>> -> memref<8x128xi32, #tpu.memory_space<vmem>>
      %dma_start3A_48 = arith.constant 0 : i32
      %dma_start3A_49 = tpu.memref_slice %arg3[%mul3A_9, %dma_start3A_48] : memref<2560x128xi32, #tpu.memory_space<hbm>> -> memref<8x128xi32, #tpu.memory_space<hbm>>
      tpu.enqueue_dma source(%dma_start3A_49 : memref<8x128xi32, #tpu.memory_space<hbm>>) target(%dma_start3A_47 : memref<8x128xi32, #tpu.memory_space<vmem>>) target_semaphore(%run_scoped3A_37 : memref<!tpu.dma_semaphore, #tpu.memory_space<semaphore_mem>>)
      %dma_wait3A_50 = arith.constant 0 : i32
      %dma_wait3A_51 = arith.constant 0 : i32
      %dma_wait3A_52 = tpu.memref_slice %arg7[%run_scoped3A, %dma_wait3A_50, %dma_wait3A_51] : memref<2x8x128xi32, #tpu.memory_space<vmem>> -> memref<1x8x128xi32, #tpu.memory_space<vmem>>
      %dma_wait3A_53 = tpu.memref_squeeze %dma_wait3A_52 : memref<1x8x128xi32, #tpu.memory_space<vmem>> -> memref<8x128xi32, #tpu.memory_space<vmem>>
      %dma_wait3A_54 = arith.constant 0 : i32
      %dma_wait3A_55 = tpu.memref_slice %arg3[%mul3A_9, %dma_wait3A_54] : memref<2560x128xi32, #tpu.memory_space<hbm>> -> memref<8x128xi32, #tpu.memory_space<hbm>>
      %dma_wait3A_56 = arith.constant 0 : i32
      %dma_wait3A_57 = arith.constant 0 : i32
      %dma_wait3A_58 = tpu.memref_slice %arg7[%run_scoped3A, %dma_wait3A_56, %dma_wait3A_57] : memref<2x8x128xi32, #tpu.memory_space<vmem>> -> memref<1x8x128xi32, #tpu.memory_space<vmem>>
      %dma_wait3A_59 = tpu.memref_squeeze %dma_wait3A_58 : memref<1x8x128xi32, #tpu.memory_space<vmem>> -> memref<8x128xi32, #tpu.memory_space<vmem>>
      %dma_wait3A_60 = arith.constant 0 : i32
      %dma_wait3A_61 = tpu.memref_slice %arg3[%mul3A_9, %dma_wait3A_60] : memref<2560x128xi32, #tpu.memory_space<hbm>> -> memref<8x128xi32, #tpu.memory_space<hbm>>
      tpu.wait_dma2 semaphore(%run_scoped3A_37 : memref<!tpu.dma_semaphore, #tpu.memory_space<semaphore_mem>>) src(%dma_wait3A_61 : memref<8x128xi32, #tpu.memory_space<hbm>>) dst(%dma_wait3A_59 : memref<8x128xi32, #tpu.memory_space<vmem>>)
      tpu.yield
    }) : () -> ()
    %run_scoped3A_10 = arith.constant 0 : i32
    "tpu.region"() ({
      %run_scoped3A_37 = tpu.sem_alloc : memref<!tpu.dma_semaphore, #tpu.memory_space<semaphore_mem>>
      %dma_start3A_38 = arith.constant 0 : i32
      %dma_start3A_39 = arith.constant 0 : i32
      %dma_start3A_40 = tpu.memref_slice %arg8[%run_scoped3A_10, %dma_start3A_38, %dma_start3A_39] : memref<2x8x128xi32, #tpu.memory_space<vmem>> -> memref<1x8x128xi32, #tpu.memory_space<vmem>>
      %dma_start3A_41 = tpu.memref_squeeze %dma_start3A_40 : memref<1x8x128xi32, #tpu.memory_space<vmem>> -> memref<8x128xi32, #tpu.memory_space<vmem>>
      %dma_start3A_42 = arith.constant 0 : i32
      %dma_start3A_43 = tpu.memref_slice %arg4[%mul3A_9, %dma_start3A_42] : memref<2560x128xi32, #tpu.memory_space<hbm>> -> memref<8x128xi32, #tpu.memory_space<hbm>>
      %dma_start3A_44 = arith.constant 0 : i32
      %dma_start3A_45 = arith.constant 0 : i32
      %dma_start3A_46 = tpu.memref_slice %arg8[%run_scoped3A_10, %dma_start3A_44, %dma_start3A_45] : memref<2x8x128xi32, #tpu.memory_space<vmem>> -> memref<1x8x128xi32, #tpu.memory_space<vmem>>
      %dma_start3A_47 = tpu.memref_squeeze %dma_start3A_46 : memref<1x8x128xi32, #tpu.memory_space<vmem>> -> memref<8x128xi32, #tpu.memory_space<vmem>>
      %dma_start3A_48 = arith.constant 0 : i32
      %dma_start3A_49 = tpu.memref_slice %arg4[%mul3A_9, %dma_start3A_48] : memref<2560x128xi32, #tpu.memory_space<hbm>> -> memref<8x128xi32, #tpu.memory_space<hbm>>
      tpu.enqueue_dma source(%dma_start3A_49 : memref<8x128xi32, #tpu.memory_space<hbm>>) target(%dma_start3A_47 : memref<8x128xi32, #tpu.memory_space<vmem>>) target_semaphore(%run_scoped3A_37 : memref<!tpu.dma_semaphore, #tpu.memory_space<semaphore_mem>>)
      %dma_wait3A_50 = arith.constant 0 : i32
      %dma_wait3A_51 = arith.constant 0 : i32
      %dma_wait3A_52 = tpu.memref_slice %arg8[%run_scoped3A_10, %dma_wait3A_50, %dma_wait3A_51] : memref<2x8x128xi32, #tpu.memory_space<vmem>> -> memref<1x8x128xi32, #tpu.memory_space<vmem>>
      %dma_wait3A_53 = tpu.memref_squeeze %dma_wait3A_52 : memref<1x8x128xi32, #tpu.memory_space<vmem>> -> memref<8x128xi32, #tpu.memory_space<vmem>>
      %dma_wait3A_54 = arith.constant 0 : i32
      %dma_wait3A_55 = tpu.memref_slice %arg4[%mul3A_9, %dma_wait3A_54] : memref<2560x128xi32, #tpu.memory_space<hbm>> -> memref<8x128xi32, #tpu.memory_space<hbm>>
      %dma_wait3A_56 = arith.constant 0 : i32
      %dma_wait3A_57 = arith.constant 0 : i32
      %dma_wait3A_58 = tpu.memref_slice %arg8[%run_scoped3A_10, %dma_wait3A_56, %dma_wait3A_57] : memref<2x8x128xi32, #tpu.memory_space<vmem>> -> memref<1x8x128xi32, #tpu.memory_space<vmem>>
      %dma_wait3A_59 = tpu.memref_squeeze %dma_wait3A_58 : memref<1x8x128xi32, #tpu.memory_space<vmem>> -> memref<8x128xi32, #tpu.memory_space<vmem>>
      %dma_wait3A_60 = arith.constant 0 : i32
      %dma_wait3A_61 = tpu.memref_slice %arg4[%mul3A_9, %dma_wait3A_60] : memref<2560x128xi32, #tpu.memory_space<hbm>> -> memref<8x128xi32, #tpu.memory_space<hbm>>
      tpu.wait_dma2 semaphore(%run_scoped3A_37 : memref<!tpu.dma_semaphore, #tpu.memory_space<semaphore_mem>>) src(%dma_wait3A_61 : memref<8x128xi32, #tpu.memory_space<hbm>>) dst(%dma_wait3A_59 : memref<8x128xi32, #tpu.memory_space<vmem>>)
      tpu.yield
    }) : () -> ()
    %dma_wait3A = arith.constant 0 : i32
    %dma_wait3A_11 = tpu.memref_slice %arg10[%mul3A_2, %dma_wait3A] : memref<10112x128xf32, #tpu.memory_space<vmem_shared>> -> memref<632x128xf32, #tpu.memory_space<vmem_shared>>
    %dma_wait3A_12 = arith.constant 0 : i32
    %dma_wait3A_13 = tpu.memref_slice %arg5[%mul3A_0, %dma_wait3A_12] : memref<10112x128xf32, #tpu.memory_space<hbm>> -> memref<632x128xf32, #tpu.memory_space<hbm>>
    tpu.wait_dma2 semaphore(%arg11 : memref<!tpu.dma_semaphore, #tpu.memory_space<semaphore_mem>>) src(%dma_wait3A_13 : memref<632x128xf32, #tpu.memory_space<hbm>>) dst(%dma_wait3A_11 : memref<632x128xf32, #tpu.memory_space<vmem_shared>>)
    %barrier3A = arith.constant 0 : index
    tpu.barrier barrier_id(%barrier3A)
    %dma_start3A_14 = arith.constant 0 : i32
    %dma_start3A_15 = arith.constant 0 : i32
    %dma_start3A_16 = arith.constant 0 : i32
    %dma_start3A_17 = arith.constant 0 : i32
    %dma_start3A_18 = arith.constant 0 : i32
    %dma_start3A_19 = tpu.memref_slice %arg9[%dma_start3A_16, %dma_start3A_17, %dma_start3A_18] : memref<2x128x128xf32, #tpu.memory_space<vmem>> -> memref<1x128x128xf32, #tpu.memory_space<vmem>>
    %dma_start3A_20 = tpu.memref_squeeze %dma_start3A_19 : memref<1x128x128xf32, #tpu.memory_space<vmem>> -> memref<128x128xf32, #tpu.memory_space<vmem>>
    %dma_start3A_21 = arith.constant 0 : i32
    %dma_start3A_22 = tpu.memref_slice %arg7[%dma_start3A_14, %dma_start3A_15, %dma_start3A_21] : memref<2x8x128xi32, #tpu.memory_space<vmem>> -> memref<1x1x128xi32, #tpu.memory_space<vmem>>
    %dma_start3A_23 = tpu.memref_squeeze %dma_start3A_22 : memref<1x1x128xi32, #tpu.memory_space<vmem>> -> memref<128xi32, #tpu.memory_space<vmem>>
    %dma_start3A_24 = arith.constant 0 : i32
    %dma_start3A_25 = arith.constant 0 : i32
    %dma_start3A_26 = tpu.memref_slice %arg2[%dma_start3A_24, %dma_start3A_25] : memref<10000x128xf32, #tpu.memory_space<hbm>> -> memref<10000x128xf32, #tpu.memory_space<hbm>>
    tpu.enqueue_indirect_dma source(%dma_start3A_26 : memref<10000x128xf32, #tpu.memory_space<hbm>>) target(%dma_start3A_20 : memref<128x128xf32, #tpu.memory_space<vmem>>) offsets(%dma_start3A_23 : memref<128xi32, #tpu.memory_space<vmem>>) semaphore(%arg11 : memref<!tpu.dma_semaphore, #tpu.memory_space<semaphore_mem>>)
    %scan3A = arith.constant 0 : i32
    %scan3A_27 = arith.constant 0 : i32
    %scan3A_28 = arith.constant 40 : i32
    %scan3A_29 = arith.addi %scan3A_27, %scan3A_28 : i32
    %scan3A_30 = arith.constant 1 : i32
    scf.for %scan3A_37 = %scan3A_27 to %scan3A_29 step %scan3A_30  : i32 {
      %mul3A_38 = arith.constant 2 : i32
      %mul3A_39 = arith.muli %mul3A_38, %scan3A_37 : i32
      %jit3A = arith.constant 8 : i32
      %div3A = arith.divsi %mul3A_39, %jit3A : i32
      %sign3A = arith.constant 0 : i32
      %sign3A_40 = arith.cmpi sgt, %mul3A_39, %sign3A : i32
      %sign3A_41 = arith.extui %sign3A_40 : i1 to i32
      %sign3A_42 = arith.constant 0 : i32
      %sign3A_43 = arith.cmpi slt, %mul3A_39, %sign3A_42 : i32
      %sign3A_44 = arith.extui %sign3A_43 : i1 to i32
      %sign3A_45 = arith.subi %sign3A_41, %sign3A_44 : i32
      %sign3A_46 = arith.constant 0 : i32
      %sign3A_47 = arith.cmpi sgt, %jit3A, %sign3A_46 : i32
      %sign3A_48 = arith.extui %sign3A_47 : i1 to i32
      %sign3A_49 = arith.constant 0 : i32
      %sign3A_50 = arith.cmpi slt, %jit3A, %sign3A_49 : i32
      %sign3A_51 = arith.extui %sign3A_50 : i1 to i32
      %sign3A_52 = arith.subi %sign3A_48, %sign3A_51 : i32
      %ne3A = arith.cmpi ne, %sign3A_45, %sign3A_52 : i32
      %rem3A = arith.remsi %mul3A_39, %jit3A : i32
      %ne3A_53 = arith.constant 0 : i32
      %ne3A_54 = arith.cmpi ne, %rem3A, %ne3A_53 : i32
      %and3A = arith.andi %ne3A, %ne3A_54 : i1
      %sub3A = arith.constant 1 : i32
      %sub3A_55 = arith.subi %div3A, %sub3A : i32
      %select_n3A = arith.select %and3A, %sub3A_55, %div3A : i32
      %jit3A_56 = arith.constant 2 : i32
      %eq3A = arith.constant 0 : i32
      %eq3A_57 = arith.cmpi eq, %jit3A_56, %eq3A : i32
      %jit3A_58 = arith.constant 1 : i32
      %select_n3A_59 = arith.select %eq3A_57, %jit3A_58, %jit3A_56 : i32
      %rem3A_60 = arith.remsi %select_n3A, %select_n3A_59 : i32
      %ne3A_61 = arith.constant 0 : i32
      %ne3A_62 = arith.cmpi ne, %rem3A_60, %ne3A_61 : i32
      %lt3A = arith.constant 0 : i32
      %lt3A_63 = arith.cmpi slt, %rem3A_60, %lt3A : i32
      %lt3A_64 = arith.constant 0 : i32
      %lt3A_65 = arith.cmpi slt, %select_n3A_59, %lt3A_64 : i32
      %ne3A_66 = arith.xori %lt3A_63, %lt3A_65 : i1
      %and3A_67 = arith.andi %ne3A_66, %ne3A_62 : i1
      %add3A_68 = arith.addi %rem3A_60, %select_n3A_59 : i32
      %select_n3A_69 = arith.select %and3A_67, %add3A_68, %rem3A_60 : i32
      %jit3A_70 = arith.constant 8 : i32
      %eq3A_71 = arith.constant 0 : i32
      %eq3A_72 = arith.cmpi eq, %jit3A_70, %eq3A_71 : i32
      %jit3A_73 = arith.constant 1 : i32
      %select_n3A_74 = arith.select %eq3A_72, %jit3A_73, %jit3A_70 : i32
      %rem3A_75 = arith.remsi %mul3A_39, %select_n3A_74 : i32
      %ne3A_76 = arith.constant 0 : i32
      %ne3A_77 = arith.cmpi ne, %rem3A_75, %ne3A_76 : i32
      %lt3A_78 = arith.constant 0 : i32
      %lt3A_79 = arith.cmpi slt, %rem3A_75, %lt3A_78 : i32
      %lt3A_80 = arith.constant 0 : i32
      %lt3A_81 = arith.cmpi slt, %select_n3A_74, %lt3A_80 : i32
      %ne3A_82 = arith.xori %lt3A_79, %lt3A_81 : i1
      %and3A_83 = arith.andi %ne3A_82, %ne3A_77 : i1
      %add3A_84 = arith.addi %rem3A_75, %select_n3A_74 : i32
      %select_n3A_85 = arith.select %and3A_83, %add3A_84, %rem3A_75 : i32
      %jit3A_86 = arith.constant 4 : i32
      %eq3A_87 = arith.constant 0 : i32
      %eq3A_88 = arith.cmpi eq, %jit3A_86, %eq3A_87 : i32
      %jit3A_89 = arith.constant 1 : i32
      %select_n3A_90 = arith.select %eq3A_88, %jit3A_89, %jit3A_86 : i32
      %rem3A_91 = arith.remsi %scan3A_37, %select_n3A_90 : i32
      %ne3A_92 = arith.constant 0 : i32
      %ne3A_93 = arith.cmpi ne, %rem3A_91, %ne3A_92 : i32
      %lt3A_94 = arith.constant 0 : i32
      %lt3A_95 = arith.cmpi slt, %rem3A_91, %lt3A_94 : i32
      %lt3A_96 = arith.constant 0 : i32
      %lt3A_97 = arith.cmpi slt, %select_n3A_90, %lt3A_96 : i32
      %ne3A_98 = arith.xori %lt3A_95, %lt3A_97 : i1
      %and3A_99 = arith.andi %ne3A_98, %ne3A_93 : i1
      %add3A_100 = arith.addi %rem3A_91, %select_n3A_90 : i32
      %select_n3A_101 = arith.select %and3A_99, %add3A_100, %rem3A_91 : i32
      %eq3A_102 = arith.constant 0 : i32
      %eq3A_103 = arith.cmpi eq, %select_n3A_101, %eq3A_102 : i32
      %add3A_104 = arith.constant 1 : i32
      %add3A_105 = arith.addi %select_n3A, %add3A_104 : i32
      %lt3A_106 = arith.constant 10 : i32
      %lt3A_107 = arith.cmpi slt, %add3A_105, %lt3A_106 : i32
      %and3A_108 = arith.andi %eq3A_103, %lt3A_107 : i1
      %convert_element_type3A = arith.extui %and3A_108 : i1 to i32
      %cond3A = arith.constant 0 : i32
      %cond3A_109 = arith.cmpi ne, %convert_element_type3A, %cond3A : i32
      scf.if %cond3A_109 {
        %add3A_168 = arith.constant 1 : i32
        %add3A_169 = arith.addi %select_n3A, %add3A_168 : i32
        %mul3A_170 = arith.constant 8 : i32
        %mul3A_171 = arith.muli %add3A_169, %mul3A_170 : i32
        %add3A_172 = arith.addi %mul3A_9, %mul3A_171 : i32
        %sub3A_173 = arith.constant 1 : i32
        %sub3A_174 = arith.subi %sub3A_173, %select_n3A_69 : i32
        %dma_start3A_175 = arith.constant 0 : i32
        %dma_start3A_176 = arith.constant 0 : i32
        %dma_start3A_177 = tpu.memref_slice %arg7[%sub3A_174, %dma_start3A_175, %dma_start3A_176] : memref<2x8x128xi32, #tpu.memory_space<vmem>> -> memref<1x8x128xi32, #tpu.memory_space<vmem>>
        %dma_start3A_178 = tpu.memref_squeeze %dma_start3A_177 : memref<1x8x128xi32, #tpu.memory_space<vmem>> -> memref<8x128xi32, #tpu.memory_space<vmem>>
        %dma_start3A_179 = arith.constant 0 : i32
        %dma_start3A_180 = tpu.memref_slice %arg3[%add3A_172, %dma_start3A_179] : memref<2560x128xi32, #tpu.memory_space<hbm>> -> memref<8x128xi32, #tpu.memory_space<hbm>>
        %dma_start3A_181 = arith.constant 0 : i32
        %dma_start3A_182 = arith.constant 0 : i32
        %dma_start3A_183 = tpu.memref_slice %arg7[%sub3A_174, %dma_start3A_181, %dma_start3A_182] : memref<2x8x128xi32, #tpu.memory_space<vmem>> -> memref<1x8x128xi32, #tpu.memory_space<vmem>>
        %dma_start3A_184 = tpu.memref_squeeze %dma_start3A_183 : memref<1x8x128xi32, #tpu.memory_space<vmem>> -> memref<8x128xi32, #tpu.memory_space<vmem>>
        %dma_start3A_185 = arith.constant 0 : i32
        %dma_start3A_186 = tpu.memref_slice %arg3[%add3A_172, %dma_start3A_185] : memref<2560x128xi32, #tpu.memory_space<hbm>> -> memref<8x128xi32, #tpu.memory_space<hbm>>
        tpu.enqueue_dma source(%dma_start3A_186 : memref<8x128xi32, #tpu.memory_space<hbm>>) target(%dma_start3A_184 : memref<8x128xi32, #tpu.memory_space<vmem>>) target_semaphore(%arg13 : memref<!tpu.dma_semaphore, #tpu.memory_space<semaphore_mem>>)
        %sub3A_187 = arith.constant 1 : i32
        %sub3A_188 = arith.subi %sub3A_187, %select_n3A_69 : i32
        %dma_start3A_189 = arith.constant 0 : i32
        %dma_start3A_190 = arith.constant 0 : i32
        %dma_start3A_191 = tpu.memref_slice %arg8[%sub3A_188, %dma_start3A_189, %dma_start3A_190] : memref<2x8x128xi32, #tpu.memory_space<vmem>> -> memref<1x8x128xi32, #tpu.memory_space<vmem>>
        %dma_start3A_192 = tpu.memref_squeeze %dma_start3A_191 : memref<1x8x128xi32, #tpu.memory_space<vmem>> -> memref<8x128xi32, #tpu.memory_space<vmem>>
        %dma_start3A_193 = arith.constant 0 : i32
        %dma_start3A_194 = tpu.memref_slice %arg4[%add3A_172, %dma_start3A_193] : memref<2560x128xi32, #tpu.memory_space<hbm>> -> memref<8x128xi32, #tpu.memory_space<hbm>>
        %dma_start3A_195 = arith.constant 0 : i32
        %dma_start3A_196 = arith.constant 0 : i32
        %dma_start3A_197 = tpu.memref_slice %arg8[%sub3A_188, %dma_start3A_195, %dma_start3A_196] : memref<2x8x128xi32, #tpu.memory_space<vmem>> -> memref<1x8x128xi32, #tpu.memory_space<vmem>>
        %dma_start3A_198 = tpu.memref_squeeze %dma_start3A_197 : memref<1x8x128xi32, #tpu.memory_space<vmem>> -> memref<8x128xi32, #tpu.memory_space<vmem>>
        %dma_start3A_199 = arith.constant 0 : i32
        %dma_start3A_200 = tpu.memref_slice %arg4[%add3A_172, %dma_start3A_199] : memref<2560x128xi32, #tpu.memory_space<hbm>> -> memref<8x128xi32, #tpu.memory_space<hbm>>
        tpu.enqueue_dma source(%dma_start3A_200 : memref<8x128xi32, #tpu.memory_space<hbm>>) target(%dma_start3A_198 : memref<8x128xi32, #tpu.memory_space<vmem>>) target_semaphore(%arg13 : memref<!tpu.dma_semaphore, #tpu.memory_space<semaphore_mem>>)
      } else {
      }
      %add3A_110 = arith.constant 1 : i32
      %add3A_111 = arith.addi %select_n3A_85, %add3A_110 : i32
      %dma_start3A_112 = arith.constant 1 : i32
      %dma_start3A_113 = arith.constant 0 : i32
      %dma_start3A_114 = arith.constant 0 : i32
      %dma_start3A_115 = tpu.memref_slice %arg9[%dma_start3A_112, %dma_start3A_113, %dma_start3A_114] : memref<2x128x128xf32, #tpu.memory_space<vmem>> -> memref<1x128x128xf32, #tpu.memory_space<vmem>>
      %dma_start3A_116 = tpu.memref_squeeze %dma_start3A_115 : memref<1x128x128xf32, #tpu.memory_space<vmem>> -> memref<128x128xf32, #tpu.memory_space<vmem>>
      %dma_start3A_117 = arith.constant 0 : i32
      %dma_start3A_118 = tpu.memref_slice %arg7[%select_n3A_69, %add3A_111, %dma_start3A_117] : memref<2x8x128xi32, #tpu.memory_space<vmem>> -> memref<1x1x128xi32, #tpu.memory_space<vmem>>
      %dma_start3A_119 = tpu.memref_squeeze %dma_start3A_118 : memref<1x1x128xi32, #tpu.memory_space<vmem>> -> memref<128xi32, #tpu.memory_space<vmem>>
      %dma_start3A_120 = arith.constant 0 : i32
      %dma_start3A_121 = arith.constant 0 : i32
      %dma_start3A_122 = tpu.memref_slice %arg2[%dma_start3A_120, %dma_start3A_121] : memref<10000x128xf32, #tpu.memory_space<hbm>> -> memref<10000x128xf32, #tpu.memory_space<hbm>>
      tpu.enqueue_indirect_dma source(%dma_start3A_122 : memref<10000x128xf32, #tpu.memory_space<hbm>>) target(%dma_start3A_116 : memref<128x128xf32, #tpu.memory_space<vmem>>) offsets(%dma_start3A_119 : memref<128xi32, #tpu.memory_space<vmem>>) semaphore(%arg12 : memref<!tpu.dma_semaphore, #tpu.memory_space<semaphore_mem>>)
      %dma_wait3A_123 = arith.constant 0 : i32
      %dma_wait3A_124 = arith.constant 0 : i32
      %dma_wait3A_125 = arith.constant 0 : i32
      %dma_wait3A_126 = tpu.memref_slice %arg9[%dma_wait3A_123, %dma_wait3A_124, %dma_wait3A_125] : memref<2x128x128xf32, #tpu.memory_space<vmem>> -> memref<1x128x128xf32, #tpu.memory_space<vmem>>
      %dma_wait3A_127 = tpu.memref_squeeze %dma_wait3A_126 : memref<1x128x128xf32, #tpu.memory_space<vmem>> -> memref<128x128xf32, #tpu.memory_space<vmem>>
      %dma_wait3A_128 = arith.constant 0 : i32
      %dma_wait3A_129 = tpu.memref_slice %arg7[%select_n3A_69, %select_n3A_85, %dma_wait3A_128] : memref<2x8x128xi32, #tpu.memory_space<vmem>> -> memref<1x1x128xi32, #tpu.memory_space<vmem>>
      %dma_wait3A_130 = tpu.memref_squeeze %dma_wait3A_129 : memref<1x1x128xi32, #tpu.memory_space<vmem>> -> memref<128xi32, #tpu.memory_space<vmem>>
      %dma_wait3A_131 = arith.constant 0 : i32
      %dma_wait3A_132 = arith.constant 0 : i32
      %dma_wait3A_133 = tpu.memref_slice %arg2[%dma_wait3A_131, %dma_wait3A_132] : memref<10000x128xf32, #tpu.memory_space<hbm>> -> memref<10000x128xf32, #tpu.memory_space<hbm>>
      tpu.wait_indirect_dma semaphore(%arg11 : memref<!tpu.dma_semaphore, #tpu.memory_space<semaphore_mem>>) src(%dma_wait3A_133 : memref<10000x128xf32, #tpu.memory_space<hbm>>) dst(%dma_wait3A_127 : memref<128x128xf32, #tpu.memory_space<vmem>>)
      %run_scoped3A_134 = arith.constant 0 : i32
      "tpu.region"() ({
        %run_scoped3A_168 = tpu.sem_alloc : memref<!tpu.dma_semaphore, #tpu.memory_space<semaphore_mem>>
        %dma_start3A_169 = arith.constant 0 : i32
        %dma_start3A_170 = arith.constant 0 : i32
        %dma_start3A_171 = tpu.memref_slice %arg9[%run_scoped3A_134, %dma_start3A_169, %dma_start3A_170] : memref<2x128x128xf32, #tpu.memory_space<vmem>> -> memref<1x128x128xf32, #tpu.memory_space<vmem>>
        %dma_start3A_172 = tpu.memref_squeeze %dma_start3A_171 : memref<1x128x128xf32, #tpu.memory_space<vmem>> -> memref<128x128xf32, #tpu.memory_space<vmem>>
        %dma_start3A_173 = arith.constant 0 : i32
        %dma_start3A_174 = tpu.memref_slice %arg8[%select_n3A_69, %select_n3A_85, %dma_start3A_173] : memref<2x8x128xi32, #tpu.memory_space<vmem>> -> memref<1x1x128xi32, #tpu.memory_space<vmem>>
        %dma_start3A_175 = tpu.memref_squeeze %dma_start3A_174 : memref<1x1x128xi32, #tpu.memory_space<vmem>> -> memref<128xi32, #tpu.memory_space<vmem>>
        %dma_start3A_176 = arith.constant 0 : i32
        %dma_start3A_177 = arith.constant 0 : i32
        %dma_start3A_178 = tpu.memref_slice %arg10[%dma_start3A_176, %dma_start3A_177] : memref<10112x128xf32, #tpu.memory_space<vmem_shared>> -> memref<10112x128xf32, #tpu.memory_space<vmem_shared>>
        tpu.enqueue_indirect_dma source(%dma_start3A_172 : memref<128x128xf32, #tpu.memory_space<vmem>>) target(%dma_start3A_178 : memref<10112x128xf32, #tpu.memory_space<vmem_shared>>) offsets(%dma_start3A_175 : memref<128xi32, #tpu.memory_space<vmem>>) semaphore(%run_scoped3A_168 : memref<!tpu.dma_semaphore, #tpu.memory_space<semaphore_mem>>) {add = true}
        %dma_wait3A_179 = arith.constant 0 : i32
        %dma_wait3A_180 = arith.constant 0 : i32
        %dma_wait3A_181 = tpu.memref_slice %arg9[%run_scoped3A_134, %dma_wait3A_179, %dma_wait3A_180] : memref<2x128x128xf32, #tpu.memory_space<vmem>> -> memref<1x128x128xf32, #tpu.memory_space<vmem>>
        %dma_wait3A_182 = tpu.memref_squeeze %dma_wait3A_181 : memref<1x128x128xf32, #tpu.memory_space<vmem>> -> memref<128x128xf32, #tpu.memory_space<vmem>>
        %dma_wait3A_183 = arith.constant 0 : i32
        %dma_wait3A_184 = tpu.memref_slice %arg8[%select_n3A_69, %select_n3A_85, %dma_wait3A_183] : memref<2x8x128xi32, #tpu.memory_space<vmem>> -> memref<1x1x128xi32, #tpu.memory_space<vmem>>
        %dma_wait3A_185 = tpu.memref_squeeze %dma_wait3A_184 : memref<1x1x128xi32, #tpu.memory_space<vmem>> -> memref<128xi32, #tpu.memory_space<vmem>>
        %dma_wait3A_186 = arith.constant 0 : i32
        %dma_wait3A_187 = arith.constant 0 : i32
        %dma_wait3A_188 = tpu.memref_slice %arg10[%dma_wait3A_186, %dma_wait3A_187] : memref<10112x128xf32, #tpu.memory_space<vmem_shared>> -> memref<10112x128xf32, #tpu.memory_space<vmem_shared>>
        tpu.wait_indirect_dma semaphore(%run_scoped3A_168 : memref<!tpu.dma_semaphore, #tpu.memory_space<semaphore_mem>>) src(%dma_wait3A_182 : memref<128x128xf32, #tpu.memory_space<vmem>>) dst(%dma_wait3A_188 : memref<10112x128xf32, #tpu.memory_space<vmem_shared>>)
        tpu.yield
      }) : () -> ()
      %eq3A_135 = arith.constant 3 : i32
      %eq3A_136 = arith.cmpi eq, %select_n3A_101, %eq3A_135 : i32
      %add3A_137 = arith.constant 1 : i32
      %add3A_138 = arith.addi %select_n3A, %add3A_137 : i32
      %lt3A_139 = arith.constant 10 : i32
      %lt3A_140 = arith.cmpi slt, %add3A_138, %lt3A_139 : i32
      %and3A_141 = arith.andi %eq3A_136, %lt3A_140 : i1
      %convert_element_type3A_142 = arith.extui %and3A_141 : i1 to i32
      %cond3A_143 = arith.constant 0 : i32
      %cond3A_144 = arith.cmpi ne, %convert_element_type3A_142, %cond3A_143 : i32
      scf.if %cond3A_144 {
        %sub3A_168 = arith.constant 1 : i32
        %sub3A_169 = arith.subi %sub3A_168, %select_n3A_69 : i32
        %dma_wait3A_170 = arith.constant 0 : i32
        %dma_wait3A_171 = arith.constant 0 : i32
        %dma_wait3A_172 = tpu.memref_slice %arg7[%sub3A_169, %dma_wait3A_170, %dma_wait3A_171] : memref<2x8x128xi32, #tpu.memory_space<vmem>> -> memref<1x8x128xi32, #tpu.memory_space<vmem>>
        %dma_wait3A_173 = tpu.memref_squeeze %dma_wait3A_172 : memref<1x8x128xi32, #tpu.memory_space<vmem>> -> memref<8x128xi32, #tpu.memory_space<vmem>>
        %dma_wait3A_174 = arith.constant 0 : i32
        %dma_wait3A_175 = tpu.memref_slice %arg3[%mul3A_9, %dma_wait3A_174] : memref<2560x128xi32, #tpu.memory_space<hbm>> -> memref<8x128xi32, #tpu.memory_space<hbm>>
        %dma_wait3A_176 = arith.constant 0 : i32
        %dma_wait3A_177 = arith.constant 0 : i32
        %dma_wait3A_178 = tpu.memref_slice %arg7[%sub3A_169, %dma_wait3A_176, %dma_wait3A_177] : memref<2x8x128xi32, #tpu.memory_space<vmem>> -> memref<1x8x128xi32, #tpu.memory_space<vmem>>
        %dma_wait3A_179 = tpu.memref_squeeze %dma_wait3A_178 : memref<1x8x128xi32, #tpu.memory_space<vmem>> -> memref<8x128xi32, #tpu.memory_space<vmem>>
        %dma_wait3A_180 = arith.constant 0 : i32
        %dma_wait3A_181 = tpu.memref_slice %arg3[%mul3A_9, %dma_wait3A_180] : memref<2560x128xi32, #tpu.memory_space<hbm>> -> memref<8x128xi32, #tpu.memory_space<hbm>>
        tpu.wait_dma2 semaphore(%arg13 : memref<!tpu.dma_semaphore, #tpu.memory_space<semaphore_mem>>) src(%dma_wait3A_181 : memref<8x128xi32, #tpu.memory_space<hbm>>) dst(%dma_wait3A_179 : memref<8x128xi32, #tpu.memory_space<vmem>>)
        %sub3A_182 = arith.constant 1 : i32
        %sub3A_183 = arith.subi %sub3A_182, %select_n3A_69 : i32
        %dma_wait3A_184 = arith.constant 0 : i32
        %dma_wait3A_185 = arith.constant 0 : i32
        %dma_wait3A_186 = tpu.memref_slice %arg8[%sub3A_183, %dma_wait3A_184, %dma_wait3A_185] : memref<2x8x128xi32, #tpu.memory_space<vmem>> -> memref<1x8x128xi32, #tpu.memory_space<vmem>>
        %dma_wait3A_187 = tpu.memref_squeeze %dma_wait3A_186 : memref<1x8x128xi32, #tpu.memory_space<vmem>> -> memref<8x128xi32, #tpu.memory_space<vmem>>
        %dma_wait3A_188 = arith.constant 0 : i32
        %dma_wait3A_189 = tpu.memref_slice %arg4[%mul3A_9, %dma_wait3A_188] : memref<2560x128xi32, #tpu.memory_space<hbm>> -> memref<8x128xi32, #tpu.memory_space<hbm>>
        %dma_wait3A_190 = arith.constant 0 : i32
        %dma_wait3A_191 = arith.constant 0 : i32
        %dma_wait3A_192 = tpu.memref_slice %arg8[%sub3A_183, %dma_wait3A_190, %dma_wait3A_191] : memref<2x8x128xi32, #tpu.memory_space<vmem>> -> memref<1x8x128xi32, #tpu.memory_space<vmem>>
        %dma_wait3A_193 = tpu.memref_squeeze %dma_wait3A_192 : memref<1x8x128xi32, #tpu.memory_space<vmem>> -> memref<8x128xi32, #tpu.memory_space<vmem>>
        %dma_wait3A_194 = arith.constant 0 : i32
        %dma_wait3A_195 = tpu.memref_slice %arg4[%mul3A_9, %dma_wait3A_194] : memref<2560x128xi32, #tpu.memory_space<hbm>> -> memref<8x128xi32, #tpu.memory_space<hbm>>
        tpu.wait_dma2 semaphore(%arg13 : memref<!tpu.dma_semaphore, #tpu.memory_space<semaphore_mem>>) src(%dma_wait3A_195 : memref<8x128xi32, #tpu.memory_space<hbm>>) dst(%dma_wait3A_193 : memref<8x128xi32, #tpu.memory_space<vmem>>)
      } else {
      }
      %add3A_145 = arith.constant 1 : i32
      %add3A_146 = arith.addi %scan3A_37, %add3A_145 : i32
      %lt3A_147 = arith.constant 40 : i32
      %lt3A_148 = arith.cmpi slt, %add3A_146, %lt3A_147 : i32
      %convert_element_type3A_149 = arith.extui %lt3A_148 : i1 to i32
      %cond3A_150 = arith.constant 0 : i32
      %cond3A_151 = arith.cmpi ne, %convert_element_type3A_149, %cond3A_150 : i32
      scf.if %cond3A_151 {
        %add3A_168 = arith.constant 2 : i32
        %add3A_169 = arith.addi %mul3A_39, %add3A_168 : i32
        %jit3A_170 = arith.constant 8 : i32
        %div3A_171 = arith.divsi %add3A_169, %jit3A_170 : i32
        %sign3A_172 = arith.constant 0 : i32
        %sign3A_173 = arith.cmpi sgt, %add3A_169, %sign3A_172 : i32
        %sign3A_174 = arith.extui %sign3A_173 : i1 to i32
        %sign3A_175 = arith.constant 0 : i32
        %sign3A_176 = arith.cmpi slt, %add3A_169, %sign3A_175 : i32
        %sign3A_177 = arith.extui %sign3A_176 : i1 to i32
        %sign3A_178 = arith.subi %sign3A_174, %sign3A_177 : i32
        %sign3A_179 = arith.constant 0 : i32
        %sign3A_180 = arith.cmpi sgt, %jit3A_170, %sign3A_179 : i32
        %sign3A_181 = arith.extui %sign3A_180 : i1 to i32
        %sign3A_182 = arith.constant 0 : i32
        %sign3A_183 = arith.cmpi slt, %jit3A_170, %sign3A_182 : i32
        %sign3A_184 = arith.extui %sign3A_183 : i1 to i32
        %sign3A_185 = arith.subi %sign3A_181, %sign3A_184 : i32
        %ne3A_186 = arith.cmpi ne, %sign3A_178, %sign3A_185 : i32
        %rem3A_187 = arith.remsi %add3A_169, %jit3A_170 : i32
        %ne3A_188 = arith.constant 0 : i32
        %ne3A_189 = arith.cmpi ne, %rem3A_187, %ne3A_188 : i32
        %and3A_190 = arith.andi %ne3A_186, %ne3A_189 : i1
        %sub3A_191 = arith.constant 1 : i32
        %sub3A_192 = arith.subi %div3A_171, %sub3A_191 : i32
        %select_n3A_193 = arith.select %and3A_190, %sub3A_192, %div3A_171 : i32
        %jit3A_194 = arith.constant 2 : i32
        %eq3A_195 = arith.constant 0 : i32
        %eq3A_196 = arith.cmpi eq, %jit3A_194, %eq3A_195 : i32
        %jit3A_197 = arith.constant 1 : i32
        %select_n3A_198 = arith.select %eq3A_196, %jit3A_197, %jit3A_194 : i32
        %rem3A_199 = arith.remsi %select_n3A_193, %select_n3A_198 : i32
        %ne3A_200 = arith.constant 0 : i32
        %ne3A_201 = arith.cmpi ne, %rem3A_199, %ne3A_200 : i32
        %lt3A_202 = arith.constant 0 : i32
        %lt3A_203 = arith.cmpi slt, %rem3A_199, %lt3A_202 : i32
        %lt3A_204 = arith.constant 0 : i32
        %lt3A_205 = arith.cmpi slt, %select_n3A_198, %lt3A_204 : i32
        %ne3A_206 = arith.xori %lt3A_203, %lt3A_205 : i1
        %and3A_207 = arith.andi %ne3A_206, %ne3A_201 : i1
        %add3A_208 = arith.addi %rem3A_199, %select_n3A_198 : i32
        %select_n3A_209 = arith.select %and3A_207, %add3A_208, %rem3A_199 : i32
        %jit3A_210 = arith.constant 8 : i32
        %eq3A_211 = arith.constant 0 : i32
        %eq3A_212 = arith.cmpi eq, %jit3A_210, %eq3A_211 : i32
        %jit3A_213 = arith.constant 1 : i32
        %select_n3A_214 = arith.select %eq3A_212, %jit3A_213, %jit3A_210 : i32
        %rem3A_215 = arith.remsi %add3A_169, %select_n3A_214 : i32
        %ne3A_216 = arith.constant 0 : i32
        %ne3A_217 = arith.cmpi ne, %rem3A_215, %ne3A_216 : i32
        %lt3A_218 = arith.constant 0 : i32
        %lt3A_219 = arith.cmpi slt, %rem3A_215, %lt3A_218 : i32
        %lt3A_220 = arith.constant 0 : i32
        %lt3A_221 = arith.cmpi slt, %select_n3A_214, %lt3A_220 : i32
        %ne3A_222 = arith.xori %lt3A_219, %lt3A_221 : i1
        %and3A_223 = arith.andi %ne3A_222, %ne3A_217 : i1
        %add3A_224 = arith.addi %rem3A_215, %select_n3A_214 : i32
        %select_n3A_225 = arith.select %and3A_223, %add3A_224, %rem3A_215 : i32
        %dma_start3A_226 = arith.constant 0 : i32
        %dma_start3A_227 = arith.constant 0 : i32
        %dma_start3A_228 = arith.constant 0 : i32
        %dma_start3A_229 = tpu.memref_slice %arg9[%dma_start3A_226, %dma_start3A_227, %dma_start3A_228] : memref<2x128x128xf32, #tpu.memory_space<vmem>> -> memref<1x128x128xf32, #tpu.memory_space<vmem>>
        %dma_start3A_230 = tpu.memref_squeeze %dma_start3A_229 : memref<1x128x128xf32, #tpu.memory_space<vmem>> -> memref<128x128xf32, #tpu.memory_space<vmem>>
        %dma_start3A_231 = arith.constant 0 : i32
        %dma_start3A_232 = tpu.memref_slice %arg7[%select_n3A_209, %select_n3A_225, %dma_start3A_231] : memref<2x8x128xi32, #tpu.memory_space<vmem>> -> memref<1x1x128xi32, #tpu.memory_space<vmem>>
        %dma_start3A_233 = tpu.memref_squeeze %dma_start3A_232 : memref<1x1x128xi32, #tpu.memory_space<vmem>> -> memref<128xi32, #tpu.memory_space<vmem>>
        %dma_start3A_234 = arith.constant 0 : i32
        %dma_start3A_235 = arith.constant 0 : i32
        %dma_start3A_236 = tpu.memref_slice %arg2[%dma_start3A_234, %dma_start3A_235] : memref<10000x128xf32, #tpu.memory_space<hbm>> -> memref<10000x128xf32, #tpu.memory_space<hbm>>
        tpu.enqueue_indirect_dma source(%dma_start3A_236 : memref<10000x128xf32, #tpu.memory_space<hbm>>) target(%dma_start3A_230 : memref<128x128xf32, #tpu.memory_space<vmem>>) offsets(%dma_start3A_233 : memref<128xi32, #tpu.memory_space<vmem>>) semaphore(%arg11 : memref<!tpu.dma_semaphore, #tpu.memory_space<semaphore_mem>>)
      } else {
      }
      %add3A_152 = arith.constant 1 : i32
      %add3A_153 = arith.addi %select_n3A_85, %add3A_152 : i32
      %dma_wait3A_154 = arith.constant 1 : i32
      %dma_wait3A_155 = arith.constant 0 : i32
      %dma_wait3A_156 = arith.constant 0 : i32
      %dma_wait3A_157 = tpu.memref_slice %arg9[%dma_wait3A_154, %dma_wait3A_155, %dma_wait3A_156] : memref<2x128x128xf32, #tpu.memory_space<vmem>> -> memref<1x128x128xf32, #tpu.memory_space<vmem>>
      %dma_wait3A_158 = tpu.memref_squeeze %dma_wait3A_157 : memref<1x128x128xf32, #tpu.memory_space<vmem>> -> memref<128x128xf32, #tpu.memory_space<vmem>>
      %dma_wait3A_159 = arith.constant 0 : i32
      %dma_wait3A_160 = tpu.memref_slice %arg7[%select_n3A_69, %add3A_153, %dma_wait3A_159] : memref<2x8x128xi32, #tpu.memory_space<vmem>> -> memref<1x1x128xi32, #tpu.memory_space<vmem>>
      %dma_wait3A_161 = tpu.memref_squeeze %dma_wait3A_160 : memref<1x1x128xi32, #tpu.memory_space<vmem>> -> memref<128xi32, #tpu.memory_space<vmem>>
      %dma_wait3A_162 = arith.constant 0 : i32
      %dma_wait3A_163 = arith.constant 0 : i32
      %dma_wait3A_164 = tpu.memref_slice %arg2[%dma_wait3A_162, %dma_wait3A_163] : memref<10000x128xf32, #tpu.memory_space<hbm>> -> memref<10000x128xf32, #tpu.memory_space<hbm>>
      tpu.wait_indirect_dma semaphore(%arg12 : memref<!tpu.dma_semaphore, #tpu.memory_space<semaphore_mem>>) src(%dma_wait3A_164 : memref<10000x128xf32, #tpu.memory_space<hbm>>) dst(%dma_wait3A_158 : memref<128x128xf32, #tpu.memory_space<vmem>>)
      %add3A_165 = arith.constant 1 : i32
      %add3A_166 = arith.addi %select_n3A_85, %add3A_165 : i32
      %run_scoped3A_167 = arith.constant 1 : i32
      "tpu.region"() ({
        %run_scoped3A_168 = tpu.sem_alloc : memref<!tpu.dma_semaphore, #tpu.memory_space<semaphore_mem>>
        %dma_start3A_169 = arith.constant 0 : i32
        %dma_start3A_170 = arith.constant 0 : i32
        %dma_start3A_171 = tpu.memref_slice %arg9[%run_scoped3A_167, %dma_start3A_169, %dma_start3A_170] : memref<2x128x128xf32, #tpu.memory_space<vmem>> -> memref<1x128x128xf32, #tpu.memory_space<vmem>>
        %dma_start3A_172 = tpu.memref_squeeze %dma_start3A_171 : memref<1x128x128xf32, #tpu.memory_space<vmem>> -> memref<128x128xf32, #tpu.memory_space<vmem>>
        %dma_start3A_173 = arith.constant 0 : i32
        %dma_start3A_174 = tpu.memref_slice %arg8[%select_n3A_69, %add3A_166, %dma_start3A_173] : memref<2x8x128xi32, #tpu.memory_space<vmem>> -> memref<1x1x128xi32, #tpu.memory_space<vmem>>
        %dma_start3A_175 = tpu.memref_squeeze %dma_start3A_174 : memref<1x1x128xi32, #tpu.memory_space<vmem>> -> memref<128xi32, #tpu.memory_space<vmem>>
        %dma_start3A_176 = arith.constant 0 : i32
        %dma_start3A_177 = arith.constant 0 : i32
        %dma_start3A_178 = tpu.memref_slice %arg10[%dma_start3A_176, %dma_start3A_177] : memref<10112x128xf32, #tpu.memory_space<vmem_shared>> -> memref<10112x128xf32, #tpu.memory_space<vmem_shared>>
        tpu.enqueue_indirect_dma source(%dma_start3A_172 : memref<128x128xf32, #tpu.memory_space<vmem>>) target(%dma_start3A_178 : memref<10112x128xf32, #tpu.memory_space<vmem_shared>>) offsets(%dma_start3A_175 : memref<128xi32, #tpu.memory_space<vmem>>) semaphore(%run_scoped3A_168 : memref<!tpu.dma_semaphore, #tpu.memory_space<semaphore_mem>>) {add = true}
        %dma_wait3A_179 = arith.constant 0 : i32
        %dma_wait3A_180 = arith.constant 0 : i32
        %dma_wait3A_181 = tpu.memref_slice %arg9[%run_scoped3A_167, %dma_wait3A_179, %dma_wait3A_180] : memref<2x128x128xf32, #tpu.memory_space<vmem>> -> memref<1x128x128xf32, #tpu.memory_space<vmem>>
        %dma_wait3A_182 = tpu.memref_squeeze %dma_wait3A_181 : memref<1x128x128xf32, #tpu.memory_space<vmem>> -> memref<128x128xf32, #tpu.memory_space<vmem>>
        %dma_wait3A_183 = arith.constant 0 : i32
        %dma_wait3A_184 = tpu.memref_slice %arg8[%select_n3A_69, %add3A_166, %dma_wait3A_183] : memref<2x8x128xi32, #tpu.memory_space<vmem>> -> memref<1x1x128xi32, #tpu.memory_space<vmem>>
        %dma_wait3A_185 = tpu.memref_squeeze %dma_wait3A_184 : memref<1x1x128xi32, #tpu.memory_space<vmem>> -> memref<128xi32, #tpu.memory_space<vmem>>
        %dma_wait3A_186 = arith.constant 0 : i32
        %dma_wait3A_187 = arith.constant 0 : i32
        %dma_wait3A_188 = tpu.memref_slice %arg10[%dma_wait3A_186, %dma_wait3A_187] : memref<10112x128xf32, #tpu.memory_space<vmem_shared>> -> memref<10112x128xf32, #tpu.memory_space<vmem_shared>>
        tpu.wait_indirect_dma semaphore(%run_scoped3A_168 : memref<!tpu.dma_semaphore, #tpu.memory_space<semaphore_mem>>) src(%dma_wait3A_182 : memref<128x128xf32, #tpu.memory_space<vmem>>) dst(%dma_wait3A_188 : memref<10112x128xf32, #tpu.memory_space<vmem_shared>>)
        tpu.yield
      }) : () -> ()
    }
    %scan3A_31 = arith.constant 40 : i32
    %barrier3A_32 = arith.constant 0 : index
    tpu.barrier barrier_id(%barrier3A_32)
    %mul3A_33 = arith.constant 632 : i32
    %mul3A_34 = arith.muli %arg1, %mul3A_33 : i32
    %mul3A_35 = arith.constant 632 : i32
    %mul3A_36 = arith.muli %arg1, %mul3A_35 : i32
    "tpu.region"() ({
      %run_scoped3A_37 = tpu.sem_alloc : memref<!tpu.dma_semaphore, #tpu.memory_space<semaphore_mem>>
      %dma_start3A_38 = arith.constant 0 : i32
      %dma_start3A_39 = tpu.memref_slice %arg6[%arg0, %mul3A_36, %dma_start3A_38] : memref<2x10112x128xf32, #tpu.memory_space<hbm>> -> memref<1x632x128xf32, #tpu.memory_space<hbm>>
      %dma_start3A_40 = tpu.memref_squeeze %dma_start3A_39 : memref<1x632x128xf32, #tpu.memory_space<hbm>> -> memref<632x128xf32, #tpu.memory_space<hbm>>
      %dma_start3A_41 = arith.constant 0 : i32
      %dma_start3A_42 = tpu.memref_slice %arg10[%mul3A_34, %dma_start3A_41] : memref<10112x128xf32, #tpu.memory_space<vmem_shared>> -> memref<632x128xf32, #tpu.memory_space<vmem_shared>>
      tpu.enqueue_dma source(%dma_start3A_42 : memref<632x128xf32, #tpu.memory_space<vmem_shared>>) target(%dma_start3A_40 : memref<632x128xf32, #tpu.memory_space<hbm>>) target_semaphore(%run_scoped3A_37 : memref<!tpu.dma_semaphore, #tpu.memory_space<semaphore_mem>>)
      %dma_wait3A_43 = arith.constant 0 : i32
      %dma_wait3A_44 = tpu.memref_slice %arg6[%arg0, %mul3A_36, %dma_wait3A_43] : memref<2x10112x128xf32, #tpu.memory_space<hbm>> -> memref<1x632x128xf32, #tpu.memory_space<hbm>>
      %dma_wait3A_45 = tpu.memref_squeeze %dma_wait3A_44 : memref<1x632x128xf32, #tpu.memory_space<hbm>> -> memref<632x128xf32, #tpu.memory_space<hbm>>
      %dma_wait3A_46 = arith.constant 0 : i32
      %dma_wait3A_47 = tpu.memref_slice %arg10[%mul3A_34, %dma_wait3A_46] : memref<10112x128xf32, #tpu.memory_space<vmem_shared>> -> memref<632x128xf32, #tpu.memory_space<vmem_shared>>
      tpu.wait_dma2 semaphore(%run_scoped3A_37 : memref<!tpu.dma_semaphore, #tpu.memory_space<semaphore_mem>>) src(%dma_wait3A_47 : memref<632x128xf32, #tpu.memory_space<vmem_shared>>) dst(%dma_wait3A_45 : memref<632x128xf32, #tpu.memory_space<hbm>>)
      tpu.yield
    }) : () -> ()
    return
  }
}

module attributes {stable_mosaic.version = 14 : i64} {
  func.func @body(%arg0: i32, %arg1: memref<2000x128xf32, #tpu.memory_space<vmem>>, %arg2: memref<2x2000x128xf32, #tpu.memory_space<vmem>>, %arg3: memref<2000x128xf32, #tpu.memory_space<vmem>>, %arg4: memref<1x128xf32, #tpu.memory_space<vmem>>, %arg5: memref<128x256xf32, #tpu.memory_space<vmem>>, %arg6: memref<1x128xf32, #tpu.memory_space<vmem>>, %arg7: memref<1x128xf32, #tpu.memory_space<vmem>>, %arg8: memref<1x128xf32, #tpu.memory_space<vmem>>, %arg9: memref<2000x128xf32, #tpu.memory_space<vmem>>) attributes {dimension_semantics = [#tpu.dimension_semantics<arbitrary>], iteration_bounds = array<i64: 5>, scalar_prefetch = 0 : i64, scratch_operands = 0 : i64, tpu.core_type = #tpu.core_type<tc>, window_params = [{transform_indices = @transform_0, window_bounds = array<i64: 2000, 128>}, {transform_indices = @transform_1, window_bounds = array<i64: 2, 2000, 128>}, {transform_indices = @transform_2, window_bounds = array<i64: 2000, 128>}, {pipeline_mode = #tpu.pipeline_mode<synchronous>, transform_indices = @transform_3, window_bounds = array<i64: 1, 128>}, {pipeline_mode = #tpu.pipeline_mode<synchronous>, transform_indices = @transform_4, window_bounds = array<i64: 128, 256>}, {pipeline_mode = #tpu.pipeline_mode<synchronous>, transform_indices = @transform_5, window_bounds = array<i64: 1, 128>}, {pipeline_mode = #tpu.pipeline_mode<synchronous>, transform_indices = @transform_6, window_bounds = array<i64: 1, 128>}, {pipeline_mode = #tpu.pipeline_mode<synchronous>, transform_indices = @transform_7, window_bounds = array<i64: 1, 128>}, {transform_indices = @transform_8, window_bounds = array<i64: 2000, 128>}]} {
    %get3A = arith.constant 0 : index
    %get3A_0 = arith.constant 0 : index
    %get3A_1 = arith.constant 0 : index
    %get3A_2 = vector.load %arg2[%get3A, %get3A_0, %get3A_1] : memref<2x2000x128xf32, #tpu.memory_space<vmem>>, vector<1x2000x128xf32>
    %get3A_3 = vector.shape_cast %get3A_2 : vector<1x2000x128xf32> to vector<2000x128xf32>
    %get3A_4 = arith.constant 1 : index
    %get3A_5 = arith.constant 0 : index
    %get3A_6 = arith.constant 0 : index
    %get3A_7 = vector.load %arg2[%get3A_4, %get3A_5, %get3A_6] : memref<2x2000x128xf32, #tpu.memory_space<vmem>>, vector<1x2000x128xf32>
    %get3A_8 = vector.shape_cast %get3A_7 : vector<1x2000x128xf32> to vector<2000x128xf32>
    %add3A = arith.addf %get3A_3, %get3A_8 : vector<2000x128xf32>
    %get3A_9 = arith.constant 0 : index
    %get3A_10 = arith.constant 0 : index
    %get3A_11 = vector.load %arg4[%get3A_9, %get3A_10] : memref<1x128xf32, #tpu.memory_space<vmem>>, vector<1x128xf32>
    %mul3A = vector.broadcast %get3A_11 : vector<1x128xf32> to vector<2000x128xf32>
    %mul3A_12 = arith.mulf %add3A, %mul3A : vector<2000x128xf32>
    %get3A_13 = arith.constant 0 : index
    %get3A_14 = arith.constant 0 : index
    %get3A_15 = vector.load %arg3[%get3A_13, %get3A_14] : memref<2000x128xf32, #tpu.memory_space<vmem>>, vector<2000x128xf32>
    %add3A_16 = arith.addf %mul3A_12, %get3A_15 : vector<2000x128xf32>
    %get3A_17 = arith.constant 0 : index
    %get3A_18 = arith.constant 0 : index
    %get3A_19 = vector.load %arg1[%get3A_17, %get3A_18] : memref<2000x128xf32, #tpu.memory_space<vmem>>, vector<2000x128xf32>
    %concatenate3A = tpu.concatenate %get3A_19, %add3A_16 in 1 : vector<2000x128xf32>, vector<2000x128xf32> -> vector<2000x256xf32>
    %get3A_20 = arith.constant 0 : index
    %get3A_21 = arith.constant 0 : index
    %get3A_22 = vector.load %arg5[%get3A_20, %get3A_21] : memref<128x256xf32, #tpu.memory_space<vmem>>, vector<128x256xf32>
    %dot_general3A = arith.constant dense<0.000000e+00> : vector<2000x128xf32>
    %dot_general3A_23 = tpu.matmul %concatenate3A, %get3A_22, %dot_general3A {dimension_numbers = #tpu.dot_dimension_numbers<[1], [1], [0], [0], [0, 0, 1, 0], [], []>, transpose_lhs_hint = false} : vector<2000x256xf32>, vector<128x256xf32>, vector<2000x128xf32> -> vector<2000x128xf32>
    %get3A_24 = arith.constant 0 : index
    %get3A_25 = arith.constant 0 : index
    %get3A_26 = vector.load %arg6[%get3A_24, %get3A_25] : memref<1x128xf32, #tpu.memory_space<vmem>>, vector<1x128xf32>
    %add3A_27 = vector.broadcast %get3A_26 : vector<1x128xf32> to vector<2000x128xf32>
    %add3A_28 = arith.addf %dot_general3A_23, %add3A_27 : vector<2000x128xf32>
    %reduce_sum3A = arith.constant dense<0.000000e+00> : vector<2000xf32>
    %reduce_sum3A_29 = vector.multi_reduction <add>, %add3A_28, %reduce_sum3A [1] : vector<2000x128xf32> to vector<2000xf32>
    %broadcast_in_dim3A = vector.shape_cast %reduce_sum3A_29 : vector<2000xf32> to vector<2000x1xf32>
    %div3A = arith.constant 1.280000e+02 : f32
    %div3A_30 = vector.broadcast %div3A : f32 to vector<2000x1xf32>
    %div3A_31 = arith.divf %broadcast_in_dim3A, %div3A_30 : vector<2000x1xf32>
    %sub3A = vector.broadcast %div3A_31 : vector<2000x1xf32> to vector<2000x128xf32>
    %sub3A_32 = arith.subf %add3A_28, %sub3A : vector<2000x128xf32>
    %mul3A_33 = arith.mulf %sub3A_32, %sub3A_32 : vector<2000x128xf32>
    %reduce_sum3A_34 = arith.constant dense<0.000000e+00> : vector<2000xf32>
    %reduce_sum3A_35 = vector.multi_reduction <add>, %mul3A_33, %reduce_sum3A_34 [1] : vector<2000x128xf32> to vector<2000xf32>
    %broadcast_in_dim3A_36 = vector.shape_cast %reduce_sum3A_35 : vector<2000xf32> to vector<2000x1xf32>
    %div3A_37 = arith.constant 1.280000e+02 : f32
    %div3A_38 = vector.broadcast %div3A_37 : f32 to vector<2000x1xf32>
    %div3A_39 = arith.divf %broadcast_in_dim3A_36, %div3A_38 : vector<2000x1xf32>
    %add3A_40 = arith.constant 9.99999974E-6 : f32
    %add3A_41 = vector.broadcast %add3A_40 : f32 to vector<2000x1xf32>
    %add3A_42 = arith.addf %div3A_39, %add3A_41 : vector<2000x1xf32>
    %rsqrt3A = math.rsqrt %add3A_42 : vector<2000x1xf32>
    %mul3A_43 = vector.broadcast %rsqrt3A : vector<2000x1xf32> to vector<2000x128xf32>
    %mul3A_44 = arith.mulf %sub3A_32, %mul3A_43 : vector<2000x128xf32>
    %get3A_45 = arith.constant 0 : index
    %get3A_46 = arith.constant 0 : index
    %get3A_47 = vector.load %arg7[%get3A_45, %get3A_46] : memref<1x128xf32, #tpu.memory_space<vmem>>, vector<1x128xf32>
    %mul3A_48 = vector.broadcast %get3A_47 : vector<1x128xf32> to vector<2000x128xf32>
    %mul3A_49 = arith.mulf %mul3A_44, %mul3A_48 : vector<2000x128xf32>
    %get3A_50 = arith.constant 0 : index
    %get3A_51 = arith.constant 0 : index
    %get3A_52 = vector.load %arg8[%get3A_50, %get3A_51] : memref<1x128xf32, #tpu.memory_space<vmem>>, vector<1x128xf32>
    %add3A_53 = vector.broadcast %get3A_52 : vector<1x128xf32> to vector<2000x128xf32>
    %add3A_54 = arith.addf %mul3A_49, %add3A_53 : vector<2000x128xf32>
    %max3A = arith.constant 0.000000e+00 : f32
    %max3A_55 = vector.broadcast %max3A : f32 to vector<2000x128xf32>
    %max3A_56 = arith.maximumf %add3A_54, %max3A_55 : vector<2000x128xf32>
    %swap3A = arith.constant 0 : index
    %swap3A_57 = arith.constant 0 : index
    %swap3A_58 = vector.load %arg9[%swap3A, %swap3A_57] : memref<2000x128xf32, #tpu.memory_space<vmem>>, vector<2000x128xf32>
    tpu.vector_store %arg9[%swap3A, %swap3A_57], %max3A_56 {strides = array<i32>} : memref<2000x128xf32, #tpu.memory_space<vmem>>, vector<2000x128xf32>,
    return
  }
  func.func @transform_0(%arg0: i32) -> (i32, i32) {
    %c0_i32 = arith.constant 0 : i32
    %c0_i32_0 = arith.constant 0 : i32
    return %arg0, %c0_i32 : i32, i32
  }
  func.func @transform_1(%arg0: i32) -> (i32, i32, i32) {
    %c0_i32 = arith.constant 0 : i32
    %c0_i32_0 = arith.constant 0 : i32
    %c0_i32_1 = arith.constant 0 : i32
    return %c0_i32, %arg0, %c0_i32_0 : i32, i32, i32
  }
  func.func @transform_2(%arg0: i32) -> (i32, i32) {
    %c0_i32 = arith.constant 0 : i32
    %c0_i32_0 = arith.constant 0 : i32
    return %arg0, %c0_i32 : i32, i32
  }
  func.func @transform_3(%arg0: i32) -> (i32, i32) {
    %c0_i32 = arith.constant 0 : i32
    %c0_i32_0 = arith.constant 0 : i32
    %c0_i32_1 = arith.constant 0 : i32
    return %c0_i32, %c0_i32_0 : i32, i32
  }
  func.func @transform_4(%arg0: i32) -> (i32, i32) {
    %c0_i32 = arith.constant 0 : i32
    %c0_i32_0 = arith.constant 0 : i32
    %c0_i32_1 = arith.constant 0 : i32
    return %c0_i32, %c0_i32_0 : i32, i32
  }
  func.func @transform_5(%arg0: i32) -> (i32, i32) {
    %c0_i32 = arith.constant 0 : i32
    %c0_i32_0 = arith.constant 0 : i32
    %c0_i32_1 = arith.constant 0 : i32
    return %c0_i32, %c0_i32_0 : i32, i32
  }
  func.func @transform_6(%arg0: i32) -> (i32, i32) {
    %c0_i32 = arith.constant 0 : i32
    %c0_i32_0 = arith.constant 0 : i32
    %c0_i32_1 = arith.constant 0 : i32
    return %c0_i32, %c0_i32_0 : i32, i32
  }
  func.func @transform_7(%arg0: i32) -> (i32, i32) {
    %c0_i32 = arith.constant 0 : i32
    %c0_i32_0 = arith.constant 0 : i32
    %c0_i32_1 = arith.constant 0 : i32
    return %c0_i32, %c0_i32_0 : i32, i32
  }
  func.func @transform_8(%arg0: i32) -> (i32, i32) {
    %c0_i32 = arith.constant 0 : i32
    %c0_i32_0 = arith.constant 0 : i32
    return %arg0, %c0_i32 : i32, i32
  }
}

</mosaic_0001>

<sc_bundles>
// kernel: kernel.4.cloned.1.call-start
scs
__scs_entry_jumppad:
0x0: {  	(pc) =	sbr.rel $0x88, $3  }
0x1: {  	(tag) =	ssettag $0x0;
	lr =	simm.s32 $0x1  }
0x2: {  	[smem:$0x3F99] =	sst lr;
	_ =	strace $0xD0000000  }
0x3: {  	_ = 	snop  }
0x4: {  	_ = 	snop  }
0x5: {  	_ = 	snop  }
0x6: {  	_ = 	snop  }
0x7: {  	_ = 	snop  }
__scs_overlays_trampoline_lowered:
0x8: {  	[smem:$0x3FA8] =	sst s0  }
0x9: {  	[smem:$0x3FA9] =	sst s1  }
0xa: {  	[smem:$0x3FAA] =	sst s2  }
0xb: {  	[smem:$0x3FAB] =	sst s3  }
0xc: {  	[smem:$0x3FAC] =	sst s4  }
0xd: {  	[smem:$0x3FAD] =	sst s5  }
0xe: {  	[smem:$0x3FAE] =	sst s6  }
0xf: {  	[smem:$0x3FAF] =	sst s7  }
0x10: {  	[smem:$0x3FB0] =	sst s8  }
0x11: {  	[smem:$0x3FB1] =	sst s9;
	s0 =	simm.s32 @!p0 $0x0  }
0x12: {  	s1 =	sld [smem:$0x3F97];
	s0 =	simm.s32 @p0 $0x1  }
0x13: {  	[smem:$0x3FB2] =	sst s0;
	s0 =	simm.s32 @!p1 $0x0  }
0x14: {  	s2 =	sld [smem:$0x3F96];
	s0 =	simm.s32 @p1 $0x1  }
0x15: {  	[smem:$0x3FB3] =	sst s0;
	s0 =	simm.s32 @!p2 $0x0  }
0x16: {  	s3 =	sld [smem:$0x3FDB];
	s0 =	simm.s32 @p2 $0x1  }
0x17: {  	s4 =	simm.s32 $0x1BF5;
	[smem:$0x3FB5] =	sst s0  }
0x18: {  	s0 =	sld [smem:$0x3F98];
	_ =	swait.ge [sflag:s4], $0x0  }
0x19: {  	s7 =	sld [smem:$0x3F99]  }
0x1a: {  	s8 =	sadd.s32 $0xFFFFE003, lr  }
0x1b: {  	s9 =	sadd.s32 $0xFFFFFEF7, lr;
	s5 =	simm.s32 $0xFFFFFFFF;
	p2 =	slt.u32 s8, $0xFFFFF086  }
0x1c: {  	p1 =	slt.u32 s9, $0xF7A;
	s5 =	simm.s32 @!p2 $0x0  }
0x1d: {  	s5 =	simm.s32 @p1 $0x1;
	p0 =	seq.s32 s7, s2  }
0x1e: {  	s7 =	smul.u32 @!p0 $0xF7A, s2;
	p2 =	seq.s32 @!p0 s5, $0x0  }
0x1f: {  	s9 =	smul.u32 $0xF7A, s1;
	s8 =	simm.s32 @!p0 $0x1BF5;
	p2 =	por !p2, p0  }
0x20: {  	[sflag:s8] =	ssyncset.s32 @!p0 $0xFFFFF086;
	s6 =	sadd.s32 @!p0 s3, s7;
	s7 =	simm.s32 @!p0 $0x108  }
0x21: {  	s3 =	sadd.s32 s3, s9;
	s6 =	sadd.s32 @!p0 $0x88, s6;
	s7 =	simm.s32 @p2 $0x1082  }
0x22: {  	[simem:s7], [sflag:s8] =	dma.local @!p0 [hbm:s6], $0xF7A  }
0x23: {  	s9 =	sor.u32 $0xD0000000, s2;
	s6 =	simm.s32 $0x108;
	_ =	swait.ge @!p0 [sflag:s8], $0x0  }
0x24: {  	s3 =	sadd.s32 $0x88, s3;
	s6 =	simm.s32 @!p1 $0x1082;
	[sflag:s4] =	ssyncset.s32 $0xFFFFF086  }
0x25: {  	[simem:s6], [sflag:s4] =	dma.local [hbm:s3], $0xF7A  }
0x26: {  	[smem:$0x3F99] =	sst s1;
	(tag) =	ssettag s2;
	_ =	strace s9  }
0x27: {  	s1 =	sld [smem:$0x3FA9]  }
0x28: {  	s2 =	sld [smem:$0x3FAA]  }
0x29: {  	s4 =	sld [smem:$0x3FAC]  }
0x2a: {  	p0 =	seq.s32 s5, $0x0;
	s5 =	sld [smem:$0x3FAD]  }
0x2b: {  	s6 =	sld [smem:$0x3FAE]  }
0x2c: {  	s7 =	sld [smem:$0x3FAF]  }
0x2d: {  	s3 =	simm.s32 $0x108;
	s8 =	sld [smem:$0x3FB0]  }
0x2e: {  	s3 =	simm.s32 @!p0 $0x1082;
	s9 =	sld [smem:$0x3FB1]  }
0x2f: {  	lr =	sadd.s32 s0, s3;
	s0 =	sld [smem:$0x3FA8]  }
0x30: {  	s3 =	sld [smem:$0x3FAB]  }
0x31: {  	[smem:$0x3FB4] =	sst s10  }
0x32: {  	s10 =	sld [smem:$0x3FB2];
	_ =	sdelay $0x3  }
0x33: {  	p0 =	seq.s32 s10, $0x1;
	s10 =	sld [smem:$0x3FB4];
	_ =	sdelay $0x3  }
0x34: {  	[smem:$0x3FB4] =	sst s10  }
0x35: {  	s10 =	sld [smem:$0x3FB3];
	_ =	sdelay $0x3  }
0x36: {  	p1 =	seq.s32 s10, $0x1;
	s10 =	sld [smem:$0x3FB4];
	_ =	sdelay $0x3  }
0x37: {  	[smem:$0x3FB4] =	sst s10  }
0x38: {  	s10 =	sld [smem:$0x3FB5]  }
0x39: {  	_ = 	snop;
	(pc) =	sbr.ind lr, $3  }
0x3a: {  	_ = 	snop  }
0x3b: {  	_ = 	snop  }
0x3c: {  	p2 =	seq.s32 s10, $0x1;
	s10 =	sld [smem:$0x3FB4]  }
0x3d: {  	_ =	shalt  }
0x3e: {  	_ =	shalt  }
0x3f: {  	_ =	shalt  }
0x40: {  	_ =	shalt  }
0x41: {  	_ =	shalt  }
0x42: {  	_ =	shalt  }
0x43: {  	_ =	shalt  }
0x44: {  	_ =	shalt  }
0x45: {  	_ =	shalt  }
0x46: {  	_ =	shalt  }
0x47: {  	_ =	shalt  }
0x48: {  	_ =	shalt  }
0x49: {  	_ =	shalt  }
0x4a: {  	_ =	shalt  }
0x4b: {  	_ =	shalt  }
0x4c: {  	_ =	shalt  }
0x4d: {  	_ =	shalt  }
0x4e: {  	_ =	shalt  }
0x4f: {  	_ =	shalt  }
0x50: {  	_ =	shalt  }
0x51: {  	_ =	shalt  }
0x52: {  	_ =	shalt  }
0x53: {  	_ =	shalt  }
0x54: {  	_ =	shalt  }
0x55: {  	_ =	shalt  }
0x56: {  	_ =	shalt  }
0x57: {  	_ =	shalt  }
0x58: {  	_ =	shalt  }
0x59: {  	_ =	shalt  }
0x5a: {  	_ =	shalt  }
0x5b: {  	_ =	shalt  }
0x5c: {  	_ =	shalt  }
0x5d: {  	_ =	shalt  }
0x5e: {  	_ =	shalt  }
0x5f: {  	_ =	shalt  }
0x60: {  	_ =	shalt  }
0x61: {  	_ =	shalt  }
0x62: {  	_ =	shalt  }
0x63: {  	_ =	shalt  }
0x64: {  	_ =	shalt  }
0x65: {  	_ =	shalt  }
0x66: {  	_ =	shalt  }
0x67: {  	_ =	shalt  }
0x68: {  	_ =	shalt  }
0x69: {  	_ =	shalt  }
0x6a: {  	_ =	shalt  }
0x6b: {  	_ =	shalt  }
0x6c: {  	_ =	shalt  }
0x6d: {  	_ =	shalt  }
0x6e: {  	_ =	shalt  }
0x6f: {  	_ =	shalt  }
0x70: {  	_ =	shalt  }
0x71: {  	_ =	shalt  }
0x72: {  	_ =	shalt  }
0x73: {  	_ =	shalt  }
0x74: {  	_ =	shalt  }
0x75: {  	_ =	shalt  }
0x76: {  	_ =	shalt  }
0x77: {  	_ =	shalt  }
0x78: {  	_ =	shalt  }
0x79: {  	_ =	shalt  }
0x7a: {  	_ =	shalt  }
0x7b: {  	_ =	shalt  }
0x7c: {  	_ =	shalt  }
0x7d: {  	_ =	shalt  }
0x7e: {  	_ =	shalt  }
0x7f: {  	_ =	shalt  }
0x80: {  	_ =	shalt  }
0x81: {  	_ =	shalt  }
0x82: {  	_ =	shalt  }
0x83: {  	_ =	shalt  }
0x84: {  	_ =	shalt  }
0x85: {  	_ =	shalt  }
0x86: {  	_ =	shalt  }
0x87: {  	_ =	shalt  }
.Lfunc_end0:
.L_simem_size_0:
called_computation_lowered:
.L_overlay_start_0:
0x88: {  	s2 =	sld [smem:$0x3FD9]  }
0x89: {  	s3 =	sld [smem:$0x3FFE];
	_ =	sdelay $0x1  }
0x8a: {  	s1 =	srdreg.scid  }
0x8b: {  	s0 =	sand.u32 $0x1, s1  }
0x8c: {  	s17 =	sshll.u32 s0, $0xA;
	s2 =	sadd.s32 s3, s2  }
0x8d: {  	s2 =	sadd.s32 s2, s17  }
0x8e: {  	[smem:$0x3FC0] =	sst s2  }
0x8f: {  	_ = 	snop  }
0x90: {  	s2 =	sld [smem:$0x3FC9]  }
0x91: {  	s18 =	sld [smem:$0x3FD0];
	(tm) =	ssettm $0x1  }
0x92: {  	s4 =	sld [smem:$0x3FFB];
	_ =	sdelay $0x3  }
0x93: {  	_ =	strace s4  }
0x94: {  	s4 =	sld [smem:$0x3FFC];
	_ =	sdelay $0x3  }
0x95: {  	_ =	strace s4  }
0x96: {  	s4 =	sld [smem:$0x3FFD];
	_ =	sdelay $0x3  }
0x97: {  	_ =	strace s4  }
0x98: {  	_ =	strace $0x8FFFFFFF  }
0x99: {  	s19 =	sld [smem:$0x3FDB];
	_ =	sdelay $0x1  }
0x9a: {  	s5 =	simm.s32 $_scs_section_size  }
0x9b: {  	s6 =	simm.s32 $_size__tile_overlayer_lowered;
	s7 =	simm.s32 $_tile_overlayer_lowered  }
0x9c: {  	s22 =	simm.s32 $0x1BFF;
	s21 =	sshll.u32 s7, $0x1;
	s4 =	sadd.s32 s5, s19  }
0x9d: {  	s8 =	simm.s32 $0x0;
	s20 =	sshll.u32 s6, $0x1;
	s6 =	sadd.s32 s21, s4  }
0x9e: {  	[timem:s8], [sflag:s22] =	dma.local [hbm:s6], s20  }
0x9f: {  	_ =	swait.ge [sflag:s22], s20  }
0xa0: {  	s5 =	ssub.s32 $0x0, s20;
	[sflag:s22] =	ssyncset.done $0x0  }
0xa1: {  	[sflag:s22] =	ssyncadd.s32 s5;
	_ =	sdelay $0x1  }
0xa2: {  	s23 =	simm.s32 $0x1B8B  }
0xa3: {  	_ =	swait.ge [sflag:s23], $0x1  }
0xa4: {  	[sflag:s23] =	ssyncset.done $0x0  }
0xa5: {  	s25 =	simm.s32 $0x1B8E;
	s24 =	sld [smem:$0x3FFE];
	[sflag:s23] =	ssyncadd.s32 $0xFFFFFFFF  }
0xa6: {  	s26 =	simm.s32 $execute0_lowered;
	[smem:$0x3FD2] =	sst s25  }
0xa7: {  	s6 =	sshll.u32 s26, $0x1;
	_ =	strace $0x80000046;
	[dreg:$0x1] =	wrdreg $0xFFFFFFFF  }
0xa8: {  	s28 =	simm.s32 $_size_execute0_lowered;
	s4 =	sadd.s32 s4, s6;
	[dreg:$0x0] =	wrdreg $0x0  }
0xa9: {  	s6 =	sshll.u32 s28, $0x1;
	[dreg:$0x2] =	wrdreg s4  }
0xaa: {  	[dreg:$0x3] =	wrdreg s6  }
0xab: {  	[dreg:$0x4] =	wrdreg $0xC0  }
0xac: {  	_ =	task [dreg:s8], $0x5FFFF  }
0xad: {  	[dreg:$0x1] =	wrdreg $0xFFFFFFFF  }
0xae: {  	[dreg:$0x0] =	wrdreg $0x60  }
0xaf: {  	[dreg:$0x2] =	wrdreg s2  }
0xb0: {  	[dreg:$0x3] =	wrdreg s18  }
0xb1: {  	[dreg:$0x4] =	wrdreg s24  }
0xb2: {  	[dreg:$0x5] =	wrdreg $0x90000  }
0xb3: {  	[dreg:$0x6] =	wrdreg $0x9  }
0xb4: {  	_ =	task.clear_ibuf [dreg:s8], $0x7FFFF;
	_ =	strace $0x90000046  }
0xb5: {  	s29 =	simm.s32 $0x9;
	_ =	strace $0x80000048  }
0xb6: {  	_ =	swait.ge [sflag:s29], $0x1  }
0xb7: {  	[sflag:s29] =	ssyncadd.s32 $0xFFFFFFFF  }
0xb8: {  	_ =	strace $0x90000048  }
0xb9: {  	_ =	sfence  }
0xba: {  	s30 =	sld [smem:$0x0];
	_ =	sdelay $0x2  }
0xbb: {  	s31 =	sshll.u32 s1, $0xD;
	s1 =	sshrl.u32 s1, $0x2  }
0xbc: {  	s3 =	sand.u32 $0x4000, s31;
	s1 =	sadd.s32 s1, s30  }
0xbd: {  	s0 =	sor.u32 s3, s0;
	s1 =	sshll.u32 s1, $0x11  }
0xbe: {  	s0 =	sor.u32 s1, s0  }
0xbf: {  	s0 =	sadd.s32 $0x8F2B, s0  }
0xc0: {  	[sflag:s0] =	ssyncadd.remote.s32 $0x1  }
0xc1: {  	_ =	sfence.sel $0xFFFF  }
0xc2: {  	[dreg:$0x0] =	wrdreg $0xFFFFFFFF;
	(pc) =	sbr.abs _section_cstart, $3  }
0xc3: {  	[dreg:$0x1] =	wrdreg $0xFFFFFFFF  }
0xc4: {  	_ =	task.clear_ibuf [dreg:s8], $0x2FFFF;
	_ =	strace $0x9FFFFFFF  }
0xc5: {  	(tm) =	ssettm $0x7FFFFFFF  }
tec
execute0_lowered:
.L_overlay_start_1:
0x0: {  	(tag) =	ssettag $0x1  }
0x1: {  	s1 =	rddreg [dreg:$0x0]  }
0x2: {  	s3 =	rddreg [dreg:$0x1]  }
0x3: {  	s7 =	rddreg [dreg:$0x2]  }
0x4: {  	s4 =	rddreg [dreg:$0x3]  }
0x5: {  	s0 =	stileid.u32;
	s6 =	srdreg.scid  }
0x6: {  	s5 =	simm.s32 $0x0;
	s18 =	simm.s32 $0x1;
	s19 =	simm.s32 $0x80  }
0x7: {  	s20 =	simm.s32 $0x1000;
	s21 =	simm.s32 $0x5000;
	s22 =	simm.s32 $0x3  }
0x8: {  	s23 =	simm.s32 $0x2;
	s24 =	simm.s32 $0x0;
	s8 =	smul.u32 $0x13C00, s0  }
0x9: {  	s9 =	sand.u32 $0x1, s6;
	[smem:$0x7FF] =	sst s5;
	s13 =	smul.u32 $0x4F000, s0  }
0xa: {  	s6 =	sadd.s32 $0x1800, s7;
	s10 =	smul.u32 $0x13C000, s9;
	_ =	strace $0x80000047  }
0xb: {  	s29 =	ssub.s32 $0x2, s9;
	s9 =	sshll.u32 s9, $0x4;
	s11 =	sshrl.u32 s8, $0x3  }
0xc: {  	s12 =	sshrl.u32 s29, $0x1;
	s30 =	sor.u32 s0, s9;
	s31 =	sshrl.u32 s13, $0x2  }
0xd: {  	s8 =	sadd.s32 s8, s10;
	s28 =	sadd.s32 s11, s7;
	s16 =	smul.u32 $0x500, s30  }
.Ltmp0:
0xe: {  	s15 =	ssub.s32 s29, s12;
	s17 =	sadd.s32 s31, s4;
	(pc) =	sbr.rel .LBB2_1-.Ltmp0, $4  }
0xf: {  	s8 =	sshrl.u32 s8, $0x3;
	s13 =	smax.u32 s15, $0x1;
	s15 =	sshrl.u32 s17, $0x3  }
0x10: {  	s14 =	sadd.s32 s8, s7;
	s7 =	sshll.u32 s0, $0x6;
	s8 =	sadd.s32 $0xB800, s28  }
0x11: {  	s10 =	sadd.s32 s3, s16;
	s11 =	sadd.s32 s6, s16;
	s9 =	sor.u32 $0x1C01, s7  }
0x12: {  	s12 =	sadd.s32 $0x33000, s14;
	s14 =	sor.u32 $0x80, s16;
	s16 =	simm.s32 $0x4  }
.LBB2_7:
0x13: {  	s24 =	sadd.s32 $0x1, s24  }
0x14: {  	p0 =	sne.s32 s24, s13  }
.Ltmp1:
0x15: {  	[bflag:$0x0] =	sbarrier.arrive $0xFFFF;
	s0 =	sor.u32 $0x1C04, s7;
	(pc) =	sbr.rel @!p0 .LBB2_8-.Ltmp1, $4  }
0x16: {  	[hbm:s12], [sflag:s0] =	dma.local [spmem:s15], $0x2780  }
0x17: {  	_ =	swait.ge [sflag:s16], $0x2780  }
0x18: {  	[sflag:s16] =	ssyncset.done $0x0  }
0x19: {  	[sflag:s16] =	ssyncadd.s32 $0xFFFFD880  }
.LBB2_1:
0x1a: {  	[spmem:s15], [sflag:s9] =	dma.local [hbm:s8], $0x2780  }
0x1b: {  	[tilespmem:s5], [sflag:$0x4] =	stream.linear.gather [hbm4b:s10+s5], $0x400, $0x38;
	[tilespmem:$0x1CC00] =	vst v63  }
0x1c: {  	_ =	swait.ge [sflag:s16], $0x400  }
0x1d: {  	[sflag:s16] =	ssyncset.done $0x0  }
0x1e: {  	s0 =	simm.s32 $0x800;
	[sflag:s16] =	ssyncadd.s32 $0xFFFFFC00  }
0x1f: {  	[tilespmem:s0], [sflag:$0x4] =	stream.linear.gather [hbm4b:s11+s5], $0x400, $0x38;
	[tilespmem:$0x1CC00] =	vst v63  }
0x20: {  	_ =	swait.ge [sflag:s16], $0x400  }
0x21: {  	[sflag:s16] =	ssyncset.done $0x0  }
0x22: {  	[sflag:s16] =	ssyncadd.s32 $0xFFFFFC00  }
.Ltmp2:
0x23: {  	_ =	swait.ge [sflag:s18], $0x2780;
	(pc) =	sbr.rel .LBB2_2-.Ltmp2, $4  }
0x24: {  	[sflag:s18] =	ssyncset.done $0x0  }
0x25: {  	[sflag:s18] =	ssyncadd.s32 $0xFFFFD880  }
0x26: {  	s25 =	simm.s32 $0x0;
	[bflag:$0x0] =	sbarrier.arrive $0xFFFF  }
0x27: {  	[tilespmem:s20], [sflag:$0x1] =	stream.indirect.gather [hbm4b:s1+s19], $0x80, s5, s19, $0xb8;
	[tilespmem:$0x1CC00] =	vst v63  }
.LBB2_3:
0x28: {  	_ =	swait.ge [sflag:s22], $0x400  }
0x29: {  	[sflag:s22] =	ssyncset.done $0x0  }
0x2a: {  	[sflag:s22] =	ssyncadd.s32 $0xFFFFFC00  }
0x2b: {  	_ =	swait.ge [sflag:s22], $0x400  }
0x2c: {  	[sflag:s22] =	ssyncset.done $0x0  }
0x2d: {  	[sflag:s22] =	ssyncadd.s32 $0xFFFFFC00  }
.LBB2_5:
0x2e: {  	s0 =	sadd.s32 $0x100, s26  }
0x2f: {  	s29 =	sadd.s32 $0x1, s25;
	s0 =	sand.u32 $0x700, s0  }
0x30: {  	[tilespmem:s20], [sflag:$0x1] =	stream.indirect.gather [hbm4b:s1+s19], $0x80, s0, s19, $0xb8;
	[tilespmem:$0x1CC00] =	vst v63  }
.LBB2_6:
0x31: {  	_ =	swait.ge [sflag:s23], $0x4000  }
0x32: {  	p0 =	slt.u32 s29, $0x28;
	[sflag:s23] =	ssyncset.done $0x0  }
.Ltmp3:
0x33: {  	s0 =	sor.u32 $0x800, s28;
	[sflag:s23] =	ssyncadd.s32 $0xFFFFC000;
	(pc) =	sbr.rel @!p0 .LBB2_7-.Ltmp3, $4  }
0x34: {  	[spmem:s4] =	stream.indirect.scatter.add.f32 [tilespmem:s21], [sflag:$0x4], $0x80, s0, s19, $0xb8;
	[tilespmem:$0x1CC00] =	vst v63  }
0x35: {  	_ =	swait.ge [sflag:s16], $0x4000  }
0x36: {  	[sflag:s16] =	ssyncset.done $0x0  }
0x37: {  	s25 =	smov.u32 s29;
	[sflag:s16] =	ssyncadd.s32 $0xFFFFC000  }
.LBB2_2:
0x38: {  	s29 =	sand.u32 $0x3, s25;
	p0 =	sgt.u32 s25, $0x23  }
0x39: {  	p1 =	sne.s32 @!p0 s29, $0x0  }
0x3a: {  	s28 =	sshrl.u32 s25, $0x2;
	s30 =	sshll.u32 s25, $0x1;
	p1 =	por p1, p0  }
0x3b: {  	s26 =	sshll.u32 s25, $0x8;
	s30 =	sand.u32 $0x6, s30;
	s28 =	sshll.u32 @!p1 s28, $0x7  }
0x3c: {  	s31 =	sand.u32 $0x400, s26;
	s30 =	sshll.u32 s30, $0x7;
	s28 =	sadd.s32 @!p1 s14, s28  }
0x3d: {  	s0 =	sxor.u32 @!p1 $0x400, s31;
	s17 =	simm.s32 @!p1 $0x0;
	s2 =	sadd.s32 @!p1 s3, s28  }
0x3e: {  	[tilespmem:s0], [sflag:$0x3] =	stream.linear.gather @!p1 [hbm4b:s2+s17], $0x400, $0x38;
	[tilespmem:$0x1CC00] =	vst v63  }
0x3f: {  	s28 =	sadd.s32 @!p1 s6, s28;
	s0 =	sor.u32 @!p1 $0x800, s0;
	s2 =	sor.u32 s31, s30  }
0x40: {  	[tilespmem:s0], [sflag:$0x3] =	stream.linear.gather @!p1 [hbm4b:s28+s17], $0x400, $0x38;
	[tilespmem:$0x1CC00] =	vst v63  }
0x41: {  	s28 =	sor.u32 $0x80, s2  }
0x42: {  	[tilespmem:s21], [sflag:$0x2] =	stream.indirect.gather [hbm4b:s1+s19], $0x80, s28, s19, $0xb8;
	[tilespmem:$0x1CC00] =	vst v63  }
0x43: {  	p1 =	sne.s32 @!p0 s29, $0x3;
	_ =	swait.ge [sflag:s18], $0x4000  }
0x44: {  	s0 =	sadd.s32 s30, s31;
	p0 =	por p0, p1;
	[sflag:s18] =	ssyncset.done $0x0  }
.Ltmp4:
0x45: {  	s0 =	sadd.s32 $0x800, s0;
	[sflag:s18] =	ssyncadd.s32 $0xFFFFC000;
	(pc) =	sbr.rel @!p0 .LBB2_3-.Ltmp4, $4  }
0x46: {  	[spmem:s4] =	stream.indirect.scatter.add.f32 [tilespmem:s20], [sflag:$0x4], $0x80, s0, s19, $0xb8;
	[tilespmem:$0x1CC00] =	vst v63  }
0x47: {  	_ =	swait.ge [sflag:s16], $0x4000  }
0x48: {  	[sflag:s16] =	ssyncset.done $0x0  }
0x49: {  	[sflag:s16] =	ssyncadd.s32 $0xFFFFC000  }
0x4a: {  	p0 =	seq.s32 s25, $0x27  }
.Ltmp5:
0x4b: {  	_ = 	snop;
	(pc) =	sbr.rel @p0 .LBB2_6-.Ltmp5, $4  }
.Ltmp6:
0x4c: {  	_ = 	snop;
	(pc) =	sbr.rel @!p0 .LBB2_5-.Ltmp6, $4  }
0x4d: {  	_ = 	snop  }
0x4e: {  	_ = 	snop  }
0x4f: {  	s29 =	simm.s32 $0x28  }
0x50: {  	_ = 	snop  }
.LBB2_8:
0x51: {  	_ =	sfence.sel $0x180000  }
0x52: {  	[bflag:$0x0] =	sbarrier.arrive $0xFFFF  }
0x53: {  	_ =	strace $0x90000047  }
0x54: {  	s0 =	stileid.u32;
	[bflag:$0x2] =	sbarrier.arrive $0xFFFF  }
0x55: {  	p0 =	sne.s32 s0, $0x0;
	s0 =	rddreg [dreg:$0x4]  }
0x56: {  	s0 =	sadd.s32 @!p0 $0x100000, s0  }
0x57: {  	[sflag:s0] =	ssyncadd.tile.s32 @!p0 $0x1;
	_ =	shalt  }
.Lfunc_end2:
_tile_overlayer_lowered:
.L_overlay_start_2:
0x58: {  	(tag) =	ssettag $0x2  }
0x59: {  	s0 =	rddreg [dreg:$0x0];
	s2 =	stileid.u32  }
0x5a: {  	s1 =	rddreg [dreg:$0x1];
	p0 =	sne.s32 s2, $0x0  }
0x5b: {  	s3 =	rddreg [dreg:$0x2];
	[bflag:$0x3] =	sbarrier.arrive $0xFFFF;
	s2 =	simm.s32 @!p0 $0x1C04  }
0x5c: {  	[timem:s3], [sflag:s2] =	dma.local @!p0 [hbm:s0], s1  }
0x5d: {  	s0 =	simm.s32 @!p0 $0x4  }
0x5e: {  	_ =	swait.ge @!p0 [sflag:s0], s1  }
0x5f: {  	s1 =	ssub.s32 @!p0 $0x0, s1;
	[sflag:s0] =	ssyncset.done @!p0 $0x0  }
0x60: {  	[sflag:s0] =	ssyncadd.s32 @!p0 s1  }
0x61: {  	[bflag:$0x3] =	sbarrier.arrive $0xFFFF  }
0x62: {  	_ =	shalt  }

</sc_bundles>
